<compile_context>
chip_gen: v7x
topology: tpu7x:2x2x1
jax: 0.10.2.dev20260603
libtpu: 0.0.44.dev20260713+nightly
codegen_flags: <defaults>
</compile_context>

<pallas_src>
import functools

import jax
import jax.numpy as jnp
from jax import lax
from jax.experimental import pallas as pl
from jax.experimental.pallas import tpu as pltpu
from jax.experimental.pallas import tpu_sc as plsc


def _sc_gather_t(x, embT):
    D, V = embT.shape
    (B,) = x.shape
    info = plsc.get_sparse_core_info()
    nc = info.num_cores
    bh = B

    mesh = plsc.VectorSubcoreMesh(core_axis_name="c", subcore_axis_name="s")

    @functools.partial(
        pl.kernel,
        mesh=mesh,
        out_type=jax.ShapeDtypeStruct((D, B), jnp.float32),
        compiler_params=pltpu.CompilerParams(
            use_tc_tiling_on_sc=True, needs_layout_passes=False
        ),
        scratch_types=[
            pltpu.VMEM((V,), jnp.float32),
            pltpu.VMEM((bh,), jnp.int32),
            pltpu.VMEM((bh,), jnp.float32),
            pltpu.SemaphoreType.DMA,
            pltpu.SemaphoreType.DMA,
        ],
    )
    def gather_k(idx_hbm, table_hbm, out_hbm, row_v, idx_v, h_v, sem_r, sem_i):
        wid = lax.axis_index("s") * nc + lax.axis_index("c")
        l = wid

        @pl.when(wid < D)
        def _():
            cp_row = pltpu.async_copy(table_hbm.at[l], row_v, sem_r)
            cp_idx = pltpu.async_copy(idx_hbm, idx_v, sem_i)
            cp_idx.wait()
            cp_row.wait()
            for g in range(bh // 16):
                xv = idx_v[pl.ds(g * 16, 16)]
                h_v[pl.ds(g * 16, 16)] = plsc.load_gather(row_v, [xv])
            pltpu.sync_copy(h_v, out_hbm.at[l])

    return gather_k(x, embT)


def _tc_project_t(hT, Wt, brow, vt, nbuf):
    D, B = hT.shape
    V = Wt.shape[1]
    nfull = V // vt
    rem = V - nfull * vt
    grid = nfull + (1 if rem else 0)

    def body(ht_ref, wt_ref, b_ref, out_hbm, bufs, sems):
        i = pl.program_id(0)
        n = pl.num_programs(0)
        slot = lax.rem(i, nbuf)

        def copy_for(step, s, width):
            return pltpu.make_async_copy(
                bufs.at[s, pl.ds(0, width), :],
                out_hbm.at[pl.ds(step * vt, width), :],
                sems.at[s],
            )

        @pl.when(i >= nbuf)
        def _():
            copy_for(i - nbuf, slot, vt).wait()

        val = lax.dot_general(
            wt_ref[...],
            ht_ref[...],
            dimension_numbers=(((0,), (0,)), ((), ())),
            preferred_element_type=jnp.float32,
        ) + jnp.transpose(b_ref[...], (1, 0))
        bufs[slot] = val

        if rem:
            @pl.when(i < nfull)
            def _():
                copy_for(i, slot, vt).start()

            @pl.when(i == nfull)
            def _():
                copy_for(nfull, slot, rem).start()
        else:
            copy_for(i, slot, vt).start()

        @pl.when(i == n - 1)
        def _():
            for k in range(min(nbuf, grid)):
                step = grid - 1 - k
                width = rem if (rem and step == nfull) else vt
                copy_for(step, step % nbuf, width).wait()

    return pl.pallas_call(
        body,
        grid=(grid,),
        compiler_params=pltpu.CompilerParams(
            vmem_limit_bytes=100 * 1024 * 1024
        ),
        in_specs=[
            pl.BlockSpec((D, B), lambda i: (0, 0)),
            pl.BlockSpec((D, vt), lambda i: (0, i)),
            pl.BlockSpec((1, vt), lambda i: (0, i)),
        ],
        out_specs=pl.BlockSpec(memory_space=pl.ANY),
        out_shape=jax.ShapeDtypeStruct((V, B), jnp.float32),
        scratch_shapes=[
            pltpu.VMEM((nbuf, vt, B), jnp.float32),
            pltpu.SemaphoreType.DMA((nbuf,)),
        ],
    )(hT, Wt, brow)


def kernel(x, emb, W, b):
    hT = _sc_gather_t(x.astype(jnp.int32), emb.T)
    out_t = _tc_project_t(hT, W.T, b.reshape(1, -1), vt=2048, nbuf=6)
    return out_t.T

# --- scband reference (transcript-rebuilt; emitter-appended) ---
"""Pipeline reference for scband-bigram-embedding-model-32487132627362 (READ-ONLY COPY).

The authoritative reference and input builder live on the scoring server;
editing this copy changes nothing except your own understanding.
"""

import jax, jax.numpy as jnp
import numpy as np

VOCAB = 100000
EMB = 16
BATCH = 1024

def setup_inputs(seed: int = 0) -> dict:
    key = jax.random.key(seed)
    k1, k2, k3, k4 = jax.random.split(key, 4)
    x = jax.random.randint(k1, (BATCH,), 0, VOCAB)
    # nn.Embedding weight: [vocab_size, embedding_dim]
    emb = jax.random.normal(k2, (VOCAB, EMB), dtype=jnp.float32) * 0.02
    # nn.Linear(embedding_dim, vocab_size): weight [vocab_size, embedding_dim], bias [vocab_size]
    W = jax.random.normal(k3, (VOCAB, EMB), dtype=jnp.float32) * 0.02
    b = jax.random.normal(k4, (VOCAB,), dtype=jnp.float32) * 0.01
    return {"x": x, "emb": emb, "W": W, "b": b}

def reference(x, emb, W, b):
    # encoder: embedding lookup -> [batch, embedding_dim]
    h = jnp.take(emb, x, axis=0)
    # output: linear projection to vocab logits -> [batch, vocab_size]
    logits = h @ W.T + b
    return logits

if __name__ == "__main__":
    import jax
    _d = setup_inputs()
    print(jax.jit(kernel)(*tuple(_d.values())))

</pallas_src>

<mosaic_0001>
#map = affine_map<(d0, d1) -> (0)>
#map1 = affine_map<(d0, d1) -> (0, 0)>
module attributes {stable_mosaic.version = 14 : i64} {
  func.func @gather_k(%arg0: i32, %arg1: i32, %arg2: memref<1024xi32, #tpu.memory_space<hbm>>, %arg3: memref<16x100000xf32, #tpu.memory_space<hbm>>, %arg4: memref<16x1024xf32, #tpu.memory_space<hbm>>, %arg5: memref<100000xf32, #tpu.memory_space<vmem>>, %arg6: memref<1024xi32, #tpu.memory_space<vmem>>, %arg7: memref<1024xf32, #tpu.memory_space<vmem>>, %arg8: memref<!tpu.dma_semaphore, #tpu.memory_space<semaphore_mem>>, %arg9: memref<!tpu.dma_semaphore, #tpu.memory_space<semaphore_mem>>) attributes {dimension_semantics = [#tpu.dimension_semantics<core_parallel>, #tpu.dimension_semantics<subcore_parallel>], iteration_bounds = array<i64: 2, 16>, scalar_prefetch = 0 : i64, scratch_operands = 5 : i64, tpu.core_type = #tpu.core_type<sc_vector_subcore>, window_params = [{transform_indices = #map}, {transform_indices = #map1}, {transform_indices = #map1}]} {
    %mul3A = arith.constant 2 : i32
    %mul3A_0 = arith.muli %arg1, %mul3A : i32
    %add3A = arith.addi %mul3A_0, %arg0 : i32
    %lt3A = arith.constant 16 : i32
    %lt3A_1 = arith.cmpi slt, %add3A, %lt3A : i32
    %convert_element_type3A = arith.extui %lt3A_1 : i1 to i32
    %cond3A = arith.constant 0 : i32
    %cond3A_2 = arith.cmpi ne, %convert_element_type3A, %cond3A : i32
    scf.if %cond3A_2 {
      %dma_start3A = arith.constant 0 : i32
      %dma_start3A_3 = tpu.memref_slice %arg3[%add3A, %dma_start3A] : memref<16x100000xf32, #tpu.memory_space<hbm>> -> memref<1x100000xf32, #tpu.memory_space<hbm>>
      %dma_start3A_4 = tpu.memref_squeeze %dma_start3A_3 : memref<1x100000xf32, #tpu.memory_space<hbm>> -> memref<100000xf32, #tpu.memory_space<hbm>>
      %dma_start3A_5 = arith.constant 0 : i32
      %dma_start3A_6 = tpu.memref_slice %arg3[%add3A, %dma_start3A_5] : memref<16x100000xf32, #tpu.memory_space<hbm>> -> memref<1x100000xf32, #tpu.memory_space<hbm>>
      %dma_start3A_7 = tpu.memref_squeeze %dma_start3A_6 : memref<1x100000xf32, #tpu.memory_space<hbm>> -> memref<100000xf32, #tpu.memory_space<hbm>>
      tpu.enqueue_dma source(%dma_start3A_7 : memref<100000xf32, #tpu.memory_space<hbm>>) target(%arg5 : memref<100000xf32, #tpu.memory_space<vmem>>) target_semaphore(%arg8 : memref<!tpu.dma_semaphore, #tpu.memory_space<semaphore_mem>>)
      tpu.enqueue_dma source(%arg2 : memref<1024xi32, #tpu.memory_space<hbm>>) target(%arg6 : memref<1024xi32, #tpu.memory_space<vmem>>) target_semaphore(%arg9 : memref<!tpu.dma_semaphore, #tpu.memory_space<semaphore_mem>>)
      tpu.wait_dma2 semaphore(%arg9 : memref<!tpu.dma_semaphore, #tpu.memory_space<semaphore_mem>>) src(%arg2 : memref<1024xi32, #tpu.memory_space<hbm>>) dst(%arg6 : memref<1024xi32, #tpu.memory_space<vmem>>)
      %dma_wait3A = arith.constant 0 : i32
      %dma_wait3A_8 = tpu.memref_slice %arg3[%add3A, %dma_wait3A] : memref<16x100000xf32, #tpu.memory_space<hbm>> -> memref<1x100000xf32, #tpu.memory_space<hbm>>
      %dma_wait3A_9 = tpu.memref_squeeze %dma_wait3A_8 : memref<1x100000xf32, #tpu.memory_space<hbm>> -> memref<100000xf32, #tpu.memory_space<hbm>>
      %dma_wait3A_10 = arith.constant 0 : i32
      %dma_wait3A_11 = tpu.memref_slice %arg3[%add3A, %dma_wait3A_10] : memref<16x100000xf32, #tpu.memory_space<hbm>> -> memref<1x100000xf32, #tpu.memory_space<hbm>>
      %dma_wait3A_12 = tpu.memref_squeeze %dma_wait3A_11 : memref<1x100000xf32, #tpu.memory_space<hbm>> -> memref<100000xf32, #tpu.memory_space<hbm>>
      tpu.wait_dma2 semaphore(%arg8 : memref<!tpu.dma_semaphore, #tpu.memory_space<semaphore_mem>>) src(%dma_wait3A_12 : memref<100000xf32, #tpu.memory_space<hbm>>) dst(%arg5 : memref<100000xf32, #tpu.memory_space<vmem>>)
      %get3A = arith.constant 0 : index
      %get3A_13 = tpu.vector_load %arg6[%get3A] {strides = array<i32>} : memref<1024xi32, #tpu.memory_space<vmem>>, vector<16xi32>,
      %gather3A = tpu.vector_load_idx %arg5[%get3A_13] : memref<100000xf32, #tpu.memory_space<vmem>>[vector<16xi32>], vector<16xf32>,
      %swap3A = arith.constant 0 : index
      %swap3A_14 = tpu.vector_load %arg7[%swap3A] {strides = array<i32>} : memref<1024xf32, #tpu.memory_space<vmem>>, vector<16xf32>,
      tpu.vector_store %arg7[%swap3A], %gather3A {strides = array<i32>} : memref<1024xf32, #tpu.memory_space<vmem>>, vector<16xf32>,
      %get3A_15 = arith.constant 16 : index
      %get3A_16 = tpu.vector_load %arg6[%get3A_15] {strides = array<i32>} : memref<1024xi32, #tpu.memory_space<vmem>>, vector<16xi32>,
      %gather3A_17 = tpu.vector_load_idx %arg5[%get3A_16] : memref<100000xf32, #tpu.memory_space<vmem>>[vector<16xi32>], vector<16xf32>,
      %swap3A_18 = arith.constant 16 : index
      %swap3A_19 = tpu.vector_load %arg7[%swap3A_18] {strides = array<i32>} : memref<1024xf32, #tpu.memory_space<vmem>>, vector<16xf32>,
      tpu.vector_store %arg7[%swap3A_18], %gather3A_17 {strides = array<i32>} : memref<1024xf32, #tpu.memory_space<vmem>>, vector<16xf32>,
      %get3A_20 = arith.constant 32 : index
      %get3A_21 = tpu.vector_load %arg6[%get3A_20] {strides = array<i32>} : memref<1024xi32, #tpu.memory_space<vmem>>, vector<16xi32>,
      %gather3A_22 = tpu.vector_load_idx %arg5[%get3A_21] : memref<100000xf32, #tpu.memory_space<vmem>>[vector<16xi32>], vector<16xf32>,
      %swap3A_23 = arith.constant 32 : index
      %swap3A_24 = tpu.vector_load %arg7[%swap3A_23] {strides = array<i32>} : memref<1024xf32, #tpu.memory_space<vmem>>, vector<16xf32>,
      tpu.vector_store %arg7[%swap3A_23], %gather3A_22 {strides = array<i32>} : memref<1024xf32, #tpu.memory_space<vmem>>, vector<16xf32>,
      %get3A_25 = arith.constant 48 : index
      %get3A_26 = tpu.vector_load %arg6[%get3A_25] {strides = array<i32>} : memref<1024xi32, #tpu.memory_space<vmem>>, vector<16xi32>,
      %gather3A_27 = tpu.vector_load_idx %arg5[%get3A_26] : memref<100000xf32, #tpu.memory_space<vmem>>[vector<16xi32>], vector<16xf32>,
      %swap3A_28 = arith.constant 48 : index
      %swap3A_29 = tpu.vector_load %arg7[%swap3A_28] {strides = array<i32>} : memref<1024xf32, #tpu.memory_space<vmem>>, vector<16xf32>,
      tpu.vector_store %arg7[%swap3A_28], %gather3A_27 {strides = array<i32>} : memref<1024xf32, #tpu.memory_space<vmem>>, vector<16xf32>,
      %get3A_30 = arith.constant 64 : index
      %get3A_31 = tpu.vector_load %arg6[%get3A_30] {strides = array<i32>} : memref<1024xi32, #tpu.memory_space<vmem>>, vector<16xi32>,
      %gather3A_32 = tpu.vector_load_idx %arg5[%get3A_31] : memref<100000xf32, #tpu.memory_space<vmem>>[vector<16xi32>], vector<16xf32>,
      %swap3A_33 = arith.constant 64 : index
      %swap3A_34 = tpu.vector_load %arg7[%swap3A_33] {strides = array<i32>} : memref<1024xf32, #tpu.memory_space<vmem>>, vector<16xf32>,
      tpu.vector_store %arg7[%swap3A_33], %gather3A_32 {strides = array<i32>} : memref<1024xf32, #tpu.memory_space<vmem>>, vector<16xf32>,
      %get3A_35 = arith.constant 80 : index
      %get3A_36 = tpu.vector_load %arg6[%get3A_35] {strides = array<i32>} : memref<1024xi32, #tpu.memory_space<vmem>>, vector<16xi32>,
      %gather3A_37 = tpu.vector_load_idx %arg5[%get3A_36] : memref<100000xf32, #tpu.memory_space<vmem>>[vector<16xi32>], vector<16xf32>,
      %swap3A_38 = arith.constant 80 : index
      %swap3A_39 = tpu.vector_load %arg7[%swap3A_38] {strides = array<i32>} : memref<1024xf32, #tpu.memory_space<vmem>>, vector<16xf32>,
      tpu.vector_store %arg7[%swap3A_38], %gather3A_37 {strides = array<i32>} : memref<1024xf32, #tpu.memory_space<vmem>>, vector<16xf32>,
      %get3A_40 = arith.constant 96 : index
      %get3A_41 = tpu.vector_load %arg6[%get3A_40] {strides = array<i32>} : memref<1024xi32, #tpu.memory_space<vmem>>, vector<16xi32>,
      %gather3A_42 = tpu.vector_load_idx %arg5[%get3A_41] : memref<100000xf32, #tpu.memory_space<vmem>>[vector<16xi32>], vector<16xf32>,
      %swap3A_43 = arith.constant 96 : index
      %swap3A_44 = tpu.vector_load %arg7[%swap3A_43] {strides = array<i32>} : memref<1024xf32, #tpu.memory_space<vmem>>, vector<16xf32>,
      tpu.vector_store %arg7[%swap3A_43], %gather3A_42 {strides = array<i32>} : memref<1024xf32, #tpu.memory_space<vmem>>, vector<16xf32>,
      %get3A_45 = arith.constant 112 : index
      %get3A_46 = tpu.vector_load %arg6[%get3A_45] {strides = array<i32>} : memref<1024xi32, #tpu.memory_space<vmem>>, vector<16xi32>,
      %gather3A_47 = tpu.vector_load_idx %arg5[%get3A_46] : memref<100000xf32, #tpu.memory_space<vmem>>[vector<16xi32>], vector<16xf32>,
      %swap3A_48 = arith.constant 112 : index
      %swap3A_49 = tpu.vector_load %arg7[%swap3A_48] {strides = array<i32>} : memref<1024xf32, #tpu.memory_space<vmem>>, vector<16xf32>,
      tpu.vector_store %arg7[%swap3A_48], %gather3A_47 {strides = array<i32>} : memref<1024xf32, #tpu.memory_space<vmem>>, vector<16xf32>,
      %get3A_50 = arith.constant 128 : index
      %get3A_51 = tpu.vector_load %arg6[%get3A_50] {strides = array<i32>} : memref<1024xi32, #tpu.memory_space<vmem>>, vector<16xi32>,
      %gather3A_52 = tpu.vector_load_idx %arg5[%get3A_51] : memref<100000xf32, #tpu.memory_space<vmem>>[vector<16xi32>], vector<16xf32>,
      %swap3A_53 = arith.constant 128 : index
      %swap3A_54 = tpu.vector_load %arg7[%swap3A_53] {strides = array<i32>} : memref<1024xf32, #tpu.memory_space<vmem>>, vector<16xf32>,
      tpu.vector_store %arg7[%swap3A_53], %gather3A_52 {strides = array<i32>} : memref<1024xf32, #tpu.memory_space<vmem>>, vector<16xf32>,
      %get3A_55 = arith.constant 144 : index
      %get3A_56 = tpu.vector_load %arg6[%get3A_55] {strides = array<i32>} : memref<1024xi32, #tpu.memory_space<vmem>>, vector<16xi32>,
      %gather3A_57 = tpu.vector_load_idx %arg5[%get3A_56] : memref<100000xf32, #tpu.memory_space<vmem>>[vector<16xi32>], vector<16xf32>,
      %swap3A_58 = arith.constant 144 : index
      %swap3A_59 = tpu.vector_load %arg7[%swap3A_58] {strides = array<i32>} : memref<1024xf32, #tpu.memory_space<vmem>>, vector<16xf32>,
      tpu.vector_store %arg7[%swap3A_58], %gather3A_57 {strides = array<i32>} : memref<1024xf32, #tpu.memory_space<vmem>>, vector<16xf32>,
      %get3A_60 = arith.constant 160 : index
      %get3A_61 = tpu.vector_load %arg6[%get3A_60] {strides = array<i32>} : memref<1024xi32, #tpu.memory_space<vmem>>, vector<16xi32>,
      %gather3A_62 = tpu.vector_load_idx %arg5[%get3A_61] : memref<100000xf32, #tpu.memory_space<vmem>>[vector<16xi32>], vector<16xf32>,
      %swap3A_63 = arith.constant 160 : index
      %swap3A_64 = tpu.vector_load %arg7[%swap3A_63] {strides = array<i32>} : memref<1024xf32, #tpu.memory_space<vmem>>, vector<16xf32>,
      tpu.vector_store %arg7[%swap3A_63], %gather3A_62 {strides = array<i32>} : memref<1024xf32, #tpu.memory_space<vmem>>, vector<16xf32>,
      %get3A_65 = arith.constant 176 : index
      %get3A_66 = tpu.vector_load %arg6[%get3A_65] {strides = array<i32>} : memref<1024xi32, #tpu.memory_space<vmem>>, vector<16xi32>,
      %gather3A_67 = tpu.vector_load_idx %arg5[%get3A_66] : memref<100000xf32, #tpu.memory_space<vmem>>[vector<16xi32>], vector<16xf32>,
      %swap3A_68 = arith.constant 176 : index
      %swap3A_69 = tpu.vector_load %arg7[%swap3A_68] {strides = array<i32>} : memref<1024xf32, #tpu.memory_space<vmem>>, vector<16xf32>,
      tpu.vector_store %arg7[%swap3A_68], %gather3A_67 {strides = array<i32>} : memref<1024xf32, #tpu.memory_space<vmem>>, vector<16xf32>,
      %get3A_70 = arith.constant 192 : index
      %get3A_71 = tpu.vector_load %arg6[%get3A_70] {strides = array<i32>} : memref<1024xi32, #tpu.memory_space<vmem>>, vector<16xi32>,
      %gather3A_72 = tpu.vector_load_idx %arg5[%get3A_71] : memref<100000xf32, #tpu.memory_space<vmem>>[vector<16xi32>], vector<16xf32>,
      %swap3A_73 = arith.constant 192 : index
      %swap3A_74 = tpu.vector_load %arg7[%swap3A_73] {strides = array<i32>} : memref<1024xf32, #tpu.memory_space<vmem>>, vector<16xf32>,
      tpu.vector_store %arg7[%swap3A_73], %gather3A_72 {strides = array<i32>} : memref<1024xf32, #tpu.memory_space<vmem>>, vector<16xf32>,
      %get3A_75 = arith.constant 208 : index
      %get3A_76 = tpu.vector_load %arg6[%get3A_75] {strides = array<i32>} : memref<1024xi32, #tpu.memory_space<vmem>>, vector<16xi32>,
      %gather3A_77 = tpu.vector_load_idx %arg5[%get3A_76] : memref<100000xf32, #tpu.memory_space<vmem>>[vector<16xi32>], vector<16xf32>,
      %swap3A_78 = arith.constant 208 : index
      %swap3A_79 = tpu.vector_load %arg7[%swap3A_78] {strides = array<i32>} : memref<1024xf32, #tpu.memory_space<vmem>>, vector<16xf32>,
      tpu.vector_store %arg7[%swap3A_78], %gather3A_77 {strides = array<i32>} : memref<1024xf32, #tpu.memory_space<vmem>>, vector<16xf32>,
      %get3A_80 = arith.constant 224 : index
      %get3A_81 = tpu.vector_load %arg6[%get3A_80] {strides = array<i32>} : memref<1024xi32, #tpu.memory_space<vmem>>, vector<16xi32>,
      %gather3A_82 = tpu.vector_load_idx %arg5[%get3A_81] : memref<100000xf32, #tpu.memory_space<vmem>>[vector<16xi32>], vector<16xf32>,
      %swap3A_83 = arith.constant 224 : index
      %swap3A_84 = tpu.vector_load %arg7[%swap3A_83] {strides = array<i32>} : memref<1024xf32, #tpu.memory_space<vmem>>, vector<16xf32>,
      tpu.vector_store %arg7[%swap3A_83], %gather3A_82 {strides = array<i32>} : memref<1024xf32, #tpu.memory_space<vmem>>, vector<16xf32>,
      %get3A_85 = arith.constant 240 : index
      %get3A_86 = tpu.vector_load %arg6[%get3A_85] {strides = array<i32>} : memref<1024xi32, #tpu.memory_space<vmem>>, vector<16xi32>,
      %gather3A_87 = tpu.vector_load_idx %arg5[%get3A_86] : memref<100000xf32, #tpu.memory_space<vmem>>[vector<16xi32>], vector<16xf32>,
      %swap3A_88 = arith.constant 240 : index
      %swap3A_89 = tpu.vector_load %arg7[%swap3A_88] {strides = array<i32>} : memref<1024xf32, #tpu.memory_space<vmem>>, vector<16xf32>,
      tpu.vector_store %arg7[%swap3A_88], %gather3A_87 {strides = array<i32>} : memref<1024xf32, #tpu.memory_space<vmem>>, vector<16xf32>,
      %get3A_90 = arith.constant 256 : index
      %get3A_91 = tpu.vector_load %arg6[%get3A_90] {strides = array<i32>} : memref<1024xi32, #tpu.memory_space<vmem>>, vector<16xi32>,
      %gather3A_92 = tpu.vector_load_idx %arg5[%get3A_91] : memref<100000xf32, #tpu.memory_space<vmem>>[vector<16xi32>], vector<16xf32>,
      %swap3A_93 = arith.constant 256 : index
      %swap3A_94 = tpu.vector_load %arg7[%swap3A_93] {strides = array<i32>} : memref<1024xf32, #tpu.memory_space<vmem>>, vector<16xf32>,
      tpu.vector_store %arg7[%swap3A_93], %gather3A_92 {strides = array<i32>} : memref<1024xf32, #tpu.memory_space<vmem>>, vector<16xf32>,
      %get3A_95 = arith.constant 272 : index
      %get3A_96 = tpu.vector_load %arg6[%get3A_95] {strides = array<i32>} : memref<1024xi32, #tpu.memory_space<vmem>>, vector<16xi32>,
      %gather3A_97 = tpu.vector_load_idx %arg5[%get3A_96] : memref<100000xf32, #tpu.memory_space<vmem>>[vector<16xi32>], vector<16xf32>,
      %swap3A_98 = arith.constant 272 : index
      %swap3A_99 = tpu.vector_load %arg7[%swap3A_98] {strides = array<i32>} : memref<1024xf32, #tpu.memory_space<vmem>>, vector<16xf32>,
      tpu.vector_store %arg7[%swap3A_98], %gather3A_97 {strides = array<i32>} : memref<1024xf32, #tpu.memory_space<vmem>>, vector<16xf32>,
      %get3A_100 = arith.constant 288 : index
      %get3A_101 = tpu.vector_load %arg6[%get3A_100] {strides = array<i32>} : memref<1024xi32, #tpu.memory_space<vmem>>, vector<16xi32>,
      %gather3A_102 = tpu.vector_load_idx %arg5[%get3A_101] : memref<100000xf32, #tpu.memory_space<vmem>>[vector<16xi32>], vector<16xf32>,
      %swap3A_103 = arith.constant 288 : index
      %swap3A_104 = tpu.vector_load %arg7[%swap3A_103] {strides = array<i32>} : memref<1024xf32, #tpu.memory_space<vmem>>, vector<16xf32>,
      tpu.vector_store %arg7[%swap3A_103], %gather3A_102 {strides = array<i32>} : memref<1024xf32, #tpu.memory_space<vmem>>, vector<16xf32>,
      %get3A_105 = arith.constant 304 : index
      %get3A_106 = tpu.vector_load %arg6[%get3A_105] {strides = array<i32>} : memref<1024xi32, #tpu.memory_space<vmem>>, vector<16xi32>,
      %gather3A_107 = tpu.vector_load_idx %arg5[%get3A_106] : memref<100000xf32, #tpu.memory_space<vmem>>[vector<16xi32>], vector<16xf32>,
      %swap3A_108 = arith.constant 304 : index
      %swap3A_109 = tpu.vector_load %arg7[%swap3A_108] {strides = array<i32>} : memref<1024xf32, #tpu.memory_space<vmem>>, vector<16xf32>,
      tpu.vector_store %arg7[%swap3A_108], %gather3A_107 {strides = array<i32>} : memref<1024xf32, #tpu.memory_space<vmem>>, vector<16xf32>,
      %get3A_110 = arith.constant 320 : index
      %get3A_111 = tpu.vector_load %arg6[%get3A_110] {strides = array<i32>} : memref<1024xi32, #tpu.memory_space<vmem>>, vector<16xi32>,
      %gather3A_112 = tpu.vector_load_idx %arg5[%get3A_111] : memref<100000xf32, #tpu.memory_space<vmem>>[vector<16xi32>], vector<16xf32>,
      %swap3A_113 = arith.constant 320 : index
      %swap3A_114 = tpu.vector_load %arg7[%swap3A_113] {strides = array<i32>} : memref<1024xf32, #tpu.memory_space<vmem>>, vector<16xf32>,
      tpu.vector_store %arg7[%swap3A_113], %gather3A_112 {strides = array<i32>} : memref<1024xf32, #tpu.memory_space<vmem>>, vector<16xf32>,
      %get3A_115 = arith.constant 336 : index
      %get3A_116 = tpu.vector_load %arg6[%get3A_115] {strides = array<i32>} : memref<1024xi32, #tpu.memory_space<vmem>>, vector<16xi32>,
      %gather3A_117 = tpu.vector_load_idx %arg5[%get3A_116] : memref<100000xf32, #tpu.memory_space<vmem>>[vector<16xi32>], vector<16xf32>,
      %swap3A_118 = arith.constant 336 : index
      %swap3A_119 = tpu.vector_load %arg7[%swap3A_118] {strides = array<i32>} : memref<1024xf32, #tpu.memory_space<vmem>>, vector<16xf32>,
      tpu.vector_store %arg7[%swap3A_118], %gather3A_117 {strides = array<i32>} : memref<1024xf32, #tpu.memory_space<vmem>>, vector<16xf32>,
      %get3A_120 = arith.constant 352 : index
      %get3A_121 = tpu.vector_load %arg6[%get3A_120] {strides = array<i32>} : memref<1024xi32, #tpu.memory_space<vmem>>, vector<16xi32>,
      %gather3A_122 = tpu.vector_load_idx %arg5[%get3A_121] : memref<100000xf32, #tpu.memory_space<vmem>>[vector<16xi32>], vector<16xf32>,
      %swap3A_123 = arith.constant 352 : index
      %swap3A_124 = tpu.vector_load %arg7[%swap3A_123] {strides = array<i32>} : memref<1024xf32, #tpu.memory_space<vmem>>, vector<16xf32>,
      tpu.vector_store %arg7[%swap3A_123], %gather3A_122 {strides = array<i32>} : memref<1024xf32, #tpu.memory_space<vmem>>, vector<16xf32>,
      %get3A_125 = arith.constant 368 : index
      %get3A_126 = tpu.vector_load %arg6[%get3A_125] {strides = array<i32>} : memref<1024xi32, #tpu.memory_space<vmem>>, vector<16xi32>,
      %gather3A_127 = tpu.vector_load_idx %arg5[%get3A_126] : memref<100000xf32, #tpu.memory_space<vmem>>[vector<16xi32>], vector<16xf32>,
      %swap3A_128 = arith.constant 368 : index
      %swap3A_129 = tpu.vector_load %arg7[%swap3A_128] {strides = array<i32>} : memref<1024xf32, #tpu.memory_space<vmem>>, vector<16xf32>,
      tpu.vector_store %arg7[%swap3A_128], %gather3A_127 {strides = array<i32>} : memref<1024xf32, #tpu.memory_space<vmem>>, vector<16xf32>,
      %get3A_130 = arith.constant 384 : index
      %get3A_131 = tpu.vector_load %arg6[%get3A_130] {strides = array<i32>} : memref<1024xi32, #tpu.memory_space<vmem>>, vector<16xi32>,
      %gather3A_132 = tpu.vector_load_idx %arg5[%get3A_131] : memref<100000xf32, #tpu.memory_space<vmem>>[vector<16xi32>], vector<16xf32>,
      %swap3A_133 = arith.constant 384 : index
      %swap3A_134 = tpu.vector_load %arg7[%swap3A_133] {strides = array<i32>} : memref<1024xf32, #tpu.memory_space<vmem>>, vector<16xf32>,
      tpu.vector_store %arg7[%swap3A_133], %gather3A_132 {strides = array<i32>} : memref<1024xf32, #tpu.memory_space<vmem>>, vector<16xf32>,
      %get3A_135 = arith.constant 400 : index
      %get3A_136 = tpu.vector_load %arg6[%get3A_135] {strides = array<i32>} : memref<1024xi32, #tpu.memory_space<vmem>>, vector<16xi32>,
      %gather3A_137 = tpu.vector_load_idx %arg5[%get3A_136] : memref<100000xf32, #tpu.memory_space<vmem>>[vector<16xi32>], vector<16xf32>,
      %swap3A_138 = arith.constant 400 : index
      %swap3A_139 = tpu.vector_load %arg7[%swap3A_138] {strides = array<i32>} : memref<1024xf32, #tpu.memory_space<vmem>>, vector<16xf32>,
      tpu.vector_store %arg7[%swap3A_138], %gather3A_137 {strides = array<i32>} : memref<1024xf32, #tpu.memory_space<vmem>>, vector<16xf32>,
      %get3A_140 = arith.constant 416 : index
      %get3A_141 = tpu.vector_load %arg6[%get3A_140] {strides = array<i32>} : memref<1024xi32, #tpu.memory_space<vmem>>, vector<16xi32>,
      %gather3A_142 = tpu.vector_load_idx %arg5[%get3A_141] : memref<100000xf32, #tpu.memory_space<vmem>>[vector<16xi32>], vector<16xf32>,
      %swap3A_143 = arith.constant 416 : index
      %swap3A_144 = tpu.vector_load %arg7[%swap3A_143] {strides = array<i32>} : memref<1024xf32, #tpu.memory_space<vmem>>, vector<16xf32>,
      tpu.vector_store %arg7[%swap3A_143], %gather3A_142 {strides = array<i32>} : memref<1024xf32, #tpu.memory_space<vmem>>, vector<16xf32>,
      %get3A_145 = arith.constant 432 : index
      %get3A_146 = tpu.vector_load %arg6[%get3A_145] {strides = array<i32>} : memref<1024xi32, #tpu.memory_space<vmem>>, vector<16xi32>,
      %gather3A_147 = tpu.vector_load_idx %arg5[%get3A_146] : memref<100000xf32, #tpu.memory_space<vmem>>[vector<16xi32>], vector<16xf32>,
      %swap3A_148 = arith.constant 432 : index
      %swap3A_149 = tpu.vector_load %arg7[%swap3A_148] {strides = array<i32>} : memref<1024xf32, #tpu.memory_space<vmem>>, vector<16xf32>,
      tpu.vector_store %arg7[%swap3A_148], %gather3A_147 {strides = array<i32>} : memref<1024xf32, #tpu.memory_space<vmem>>, vector<16xf32>,
      %get3A_150 = arith.constant 448 : index
      %get3A_151 = tpu.vector_load %arg6[%get3A_150] {strides = array<i32>} : memref<1024xi32, #tpu.memory_space<vmem>>, vector<16xi32>,
      %gather3A_152 = tpu.vector_load_idx %arg5[%get3A_151] : memref<100000xf32, #tpu.memory_space<vmem>>[vector<16xi32>], vector<16xf32>,
      %swap3A_153 = arith.constant 448 : index
      %swap3A_154 = tpu.vector_load %arg7[%swap3A_153] {strides = array<i32>} : memref<1024xf32, #tpu.memory_space<vmem>>, vector<16xf32>,
      tpu.vector_store %arg7[%swap3A_153], %gather3A_152 {strides = array<i32>} : memref<1024xf32, #tpu.memory_space<vmem>>, vector<16xf32>,
      %get3A_155 = arith.constant 464 : index
      %get3A_156 = tpu.vector_load %arg6[%get3A_155] {strides = array<i32>} : memref<1024xi32, #tpu.memory_space<vmem>>, vector<16xi32>,
      %gather3A_157 = tpu.vector_load_idx %arg5[%get3A_156] : memref<100000xf32, #tpu.memory_space<vmem>>[vector<16xi32>], vector<16xf32>,
      %swap3A_158 = arith.constant 464 : index
      %swap3A_159 = tpu.vector_load %arg7[%swap3A_158] {strides = array<i32>} : memref<1024xf32, #tpu.memory_space<vmem>>, vector<16xf32>,
      tpu.vector_store %arg7[%swap3A_158], %gather3A_157 {strides = array<i32>} : memref<1024xf32, #tpu.memory_space<vmem>>, vector<16xf32>,
      %get3A_160 = arith.constant 480 : index
      %get3A_161 = tpu.vector_load %arg6[%get3A_160] {strides = array<i32>} : memref<1024xi32, #tpu.memory_space<vmem>>, vector<16xi32>,
      %gather3A_162 = tpu.vector_load_idx %arg5[%get3A_161] : memref<100000xf32, #tpu.memory_space<vmem>>[vector<16xi32>], vector<16xf32>,
      %swap3A_163 = arith.constant 480 : index
      %swap3A_164 = tpu.vector_load %arg7[%swap3A_163] {strides = array<i32>} : memref<1024xf32, #tpu.memory_space<vmem>>, vector<16xf32>,
      tpu.vector_store %arg7[%swap3A_163], %gather3A_162 {strides = array<i32>} : memref<1024xf32, #tpu.memory_space<vmem>>, vector<16xf32>,
      %get3A_165 = arith.constant 496 : index
      %get3A_166 = tpu.vector_load %arg6[%get3A_165] {strides = array<i32>} : memref<1024xi32, #tpu.memory_space<vmem>>, vector<16xi32>,
      %gather3A_167 = tpu.vector_load_idx %arg5[%get3A_166] : memref<100000xf32, #tpu.memory_space<vmem>>[vector<16xi32>], vector<16xf32>,
      %swap3A_168 = arith.constant 496 : index
      %swap3A_169 = tpu.vector_load %arg7[%swap3A_168] {strides = array<i32>} : memref<1024xf32, #tpu.memory_space<vmem>>, vector<16xf32>,
      tpu.vector_store %arg7[%swap3A_168], %gather3A_167 {strides = array<i32>} : memref<1024xf32, #tpu.memory_space<vmem>>, vector<16xf32>,
      %get3A_170 = arith.constant 512 : index
      %get3A_171 = tpu.vector_load %arg6[%get3A_170] {strides = array<i32>} : memref<1024xi32, #tpu.memory_space<vmem>>, vector<16xi32>,
      %gather3A_172 = tpu.vector_load_idx %arg5[%get3A_171] : memref<100000xf32, #tpu.memory_space<vmem>>[vector<16xi32>], vector<16xf32>,
      %swap3A_173 = arith.constant 512 : index
      %swap3A_174 = tpu.vector_load %arg7[%swap3A_173] {strides = array<i32>} : memref<1024xf32, #tpu.memory_space<vmem>>, vector<16xf32>,
      tpu.vector_store %arg7[%swap3A_173], %gather3A_172 {strides = array<i32>} : memref<1024xf32, #tpu.memory_space<vmem>>, vector<16xf32>,
      %get3A_175 = arith.constant 528 : index
      %get3A_176 = tpu.vector_load %arg6[%get3A_175] {strides = array<i32>} : memref<1024xi32, #tpu.memory_space<vmem>>, vector<16xi32>,
      %gather3A_177 = tpu.vector_load_idx %arg5[%get3A_176] : memref<100000xf32, #tpu.memory_space<vmem>>[vector<16xi32>], vector<16xf32>,
      %swap3A_178 = arith.constant 528 : index
      %swap3A_179 = tpu.vector_load %arg7[%swap3A_178] {strides = array<i32>} : memref<1024xf32, #tpu.memory_space<vmem>>, vector<16xf32>,
      tpu.vector_store %arg7[%swap3A_178], %gather3A_177 {strides = array<i32>} : memref<1024xf32, #tpu.memory_space<vmem>>, vector<16xf32>,
      %get3A_180 = arith.constant 544 : index
      %get3A_181 = tpu.vector_load %arg6[%get3A_180] {strides = array<i32>} : memref<1024xi32, #tpu.memory_space<vmem>>, vector<16xi32>,
      %gather3A_182 = tpu.vector_load_idx %arg5[%get3A_181] : memref<100000xf32, #tpu.memory_space<vmem>>[vector<16xi32>], vector<16xf32>,
      %swap3A_183 = arith.constant 544 : index
      %swap3A_184 = tpu.vector_load %arg7[%swap3A_183] {strides = array<i32>} : memref<1024xf32, #tpu.memory_space<vmem>>, vector<16xf32>,
      tpu.vector_store %arg7[%swap3A_183], %gather3A_182 {strides = array<i32>} : memref<1024xf32, #tpu.memory_space<vmem>>, vector<16xf32>,
      %get3A_185 = arith.constant 560 : index
      %get3A_186 = tpu.vector_load %arg6[%get3A_185] {strides = array<i32>} : memref<1024xi32, #tpu.memory_space<vmem>>, vector<16xi32>,
      %gather3A_187 = tpu.vector_load_idx %arg5[%get3A_186] : memref<100000xf32, #tpu.memory_space<vmem>>[vector<16xi32>], vector<16xf32>,
      %swap3A_188 = arith.constant 560 : index
      %swap3A_189 = tpu.vector_load %arg7[%swap3A_188] {strides = array<i32>} : memref<1024xf32, #tpu.memory_space<vmem>>, vector<16xf32>,
      tpu.vector_store %arg7[%swap3A_188], %gather3A_187 {strides = array<i32>} : memref<1024xf32, #tpu.memory_space<vmem>>, vector<16xf32>,
      %get3A_190 = arith.constant 576 : index
      %get3A_191 = tpu.vector_load %arg6[%get3A_190] {strides = array<i32>} : memref<1024xi32, #tpu.memory_space<vmem>>, vector<16xi32>,
      %gather3A_192 = tpu.vector_load_idx %arg5[%get3A_191] : memref<100000xf32, #tpu.memory_space<vmem>>[vector<16xi32>], vector<16xf32>,
      %swap3A_193 = arith.constant 576 : index
      %swap3A_194 = tpu.vector_load %arg7[%swap3A_193] {strides = array<i32>} : memref<1024xf32, #tpu.memory_space<vmem>>, vector<16xf32>,
      tpu.vector_store %arg7[%swap3A_193], %gather3A_192 {strides = array<i32>} : memref<1024xf32, #tpu.memory_space<vmem>>, vector<16xf32>,
      %get3A_195 = arith.constant 592 : index
      %get3A_196 = tpu.vector_load %arg6[%get3A_195] {strides = array<i32>} : memref<1024xi32, #tpu.memory_space<vmem>>, vector<16xi32>,
      %gather3A_197 = tpu.vector_load_idx %arg5[%get3A_196] : memref<100000xf32, #tpu.memory_space<vmem>>[vector<16xi32>], vector<16xf32>,
      %swap3A_198 = arith.constant 592 : index
      %swap3A_199 = tpu.vector_load %arg7[%swap3A_198] {strides = array<i32>} : memref<1024xf32, #tpu.memory_space<vmem>>, vector<16xf32>,
      tpu.vector_store %arg7[%swap3A_198], %gather3A_197 {strides = array<i32>} : memref<1024xf32, #tpu.memory_space<vmem>>, vector<16xf32>,
      %get3A_200 = arith.constant 608 : index
      %get3A_201 = tpu.vector_load %arg6[%get3A_200] {strides = array<i32>} : memref<1024xi32, #tpu.memory_space<vmem>>, vector<16xi32>,
      %gather3A_202 = tpu.vector_load_idx %arg5[%get3A_201] : memref<100000xf32, #tpu.memory_space<vmem>>[vector<16xi32>], vector<16xf32>,
      %swap3A_203 = arith.constant 608 : index
      %swap3A_204 = tpu.vector_load %arg7[%swap3A_203] {strides = array<i32>} : memref<1024xf32, #tpu.memory_space<vmem>>, vector<16xf32>,
      tpu.vector_store %arg7[%swap3A_203], %gather3A_202 {strides = array<i32>} : memref<1024xf32, #tpu.memory_space<vmem>>, vector<16xf32>,
      %get3A_205 = arith.constant 624 : index
      %get3A_206 = tpu.vector_load %arg6[%get3A_205] {strides = array<i32>} : memref<1024xi32, #tpu.memory_space<vmem>>, vector<16xi32>,
      %gather3A_207 = tpu.vector_load_idx %arg5[%get3A_206] : memref<100000xf32, #tpu.memory_space<vmem>>[vector<16xi32>], vector<16xf32>,
      %swap3A_208 = arith.constant 624 : index
      %swap3A_209 = tpu.vector_load %arg7[%swap3A_208] {strides = array<i32>} : memref<1024xf32, #tpu.memory_space<vmem>>, vector<16xf32>,
      tpu.vector_store %arg7[%swap3A_208], %gather3A_207 {strides = array<i32>} : memref<1024xf32, #tpu.memory_space<vmem>>, vector<16xf32>,
      %get3A_210 = arith.constant 640 : index
      %get3A_211 = tpu.vector_load %arg6[%get3A_210] {strides = array<i32>} : memref<1024xi32, #tpu.memory_space<vmem>>, vector<16xi32>,
      %gather3A_212 = tpu.vector_load_idx %arg5[%get3A_211] : memref<100000xf32, #tpu.memory_space<vmem>>[vector<16xi32>], vector<16xf32>,
      %swap3A_213 = arith.constant 640 : index
      %swap3A_214 = tpu.vector_load %arg7[%swap3A_213] {strides = array<i32>} : memref<1024xf32, #tpu.memory_space<vmem>>, vector<16xf32>,
      tpu.vector_store %arg7[%swap3A_213], %gather3A_212 {strides = array<i32>} : memref<1024xf32, #tpu.memory_space<vmem>>, vector<16xf32>,
      %get3A_215 = arith.constant 656 : index
      %get3A_216 = tpu.vector_load %arg6[%get3A_215] {strides = array<i32>} : memref<1024xi32, #tpu.memory_space<vmem>>, vector<16xi32>,
      %gather3A_217 = tpu.vector_load_idx %arg5[%get3A_216] : memref<100000xf32, #tpu.memory_space<vmem>>[vector<16xi32>], vector<16xf32>,
      %swap3A_218 = arith.constant 656 : index
      %swap3A_219 = tpu.vector_load %arg7[%swap3A_218] {strides = array<i32>} : memref<1024xf32, #tpu.memory_space<vmem>>, vector<16xf32>,
      tpu.vector_store %arg7[%swap3A_218], %gather3A_217 {strides = array<i32>} : memref<1024xf32, #tpu.memory_space<vmem>>, vector<16xf32>,
      %get3A_220 = arith.constant 672 : index
      %get3A_221 = tpu.vector_load %arg6[%get3A_220] {strides = array<i32>} : memref<1024xi32, #tpu.memory_space<vmem>>, vector<16xi32>,
      %gather3A_222 = tpu.vector_load_idx %arg5[%get3A_221] : memref<100000xf32, #tpu.memory_space<vmem>>[vector<16xi32>], vector<16xf32>,
      %swap3A_223 = arith.constant 672 : index
      %swap3A_224 = tpu.vector_load %arg7[%swap3A_223] {strides = array<i32>} : memref<1024xf32, #tpu.memory_space<vmem>>, vector<16xf32>,
      tpu.vector_store %arg7[%swap3A_223], %gather3A_222 {strides = array<i32>} : memref<1024xf32, #tpu.memory_space<vmem>>, vector<16xf32>,
      %get3A_225 = arith.constant 688 : index
      %get3A_226 = tpu.vector_load %arg6[%get3A_225] {strides = array<i32>} : memref<1024xi32, #tpu.memory_space<vmem>>, vector<16xi32>,
      %gather3A_227 = tpu.vector_load_idx %arg5[%get3A_226] : memref<100000xf32, #tpu.memory_space<vmem>>[vector<16xi32>], vector<16xf32>,
      %swap3A_228 = arith.constant 688 : index
      %swap3A_229 = tpu.vector_load %arg7[%swap3A_228] {strides = array<i32>} : memref<1024xf32, #tpu.memory_space<vmem>>, vector<16xf32>,
      tpu.vector_store %arg7[%swap3A_228], %gather3A_227 {strides = array<i32>} : memref<1024xf32, #tpu.memory_space<vmem>>, vector<16xf32>,
      %get3A_230 = arith.constant 704 : index
      %get3A_231 = tpu.vector_load %arg6[%get3A_230] {strides = array<i32>} : memref<1024xi32, #tpu.memory_space<vmem>>, vector<16xi32>,
      %gather3A_232 = tpu.vector_load_idx %arg5[%get3A_231] : memref<100000xf32, #tpu.memory_space<vmem>>[vector<16xi32>], vector<16xf32>,
      %swap3A_233 = arith.constant 704 : index
      %swap3A_234 = tpu.vector_load %arg7[%swap3A_233] {strides = array<i32>} : memref<1024xf32, #tpu.memory_space<vmem>>, vector<16xf32>,
      tpu.vector_store %arg7[%swap3A_233], %gather3A_232 {strides = array<i32>} : memref<1024xf32, #tpu.memory_space<vmem>>, vector<16xf32>,
      %get3A_235 = arith.constant 720 : index
      %get3A_236 = tpu.vector_load %arg6[%get3A_235] {strides = array<i32>} : memref<1024xi32, #tpu.memory_space<vmem>>, vector<16xi32>,
      %gather3A_237 = tpu.vector_load_idx %arg5[%get3A_236] : memref<100000xf32, #tpu.memory_space<vmem>>[vector<16xi32>], vector<16xf32>,
      %swap3A_238 = arith.constant 720 : index
      %swap3A_239 = tpu.vector_load %arg7[%swap3A_238] {strides = array<i32>} : memref<1024xf32, #tpu.memory_space<vmem>>, vector<16xf32>,
      tpu.vector_store %arg7[%swap3A_238], %gather3A_237 {strides = array<i32>} : memref<1024xf32, #tpu.memory_space<vmem>>, vector<16xf32>,
      %get3A_240 = arith.constant 736 : index
      %get3A_241 = tpu.vector_load %arg6[%get3A_240] {strides = array<i32>} : memref<1024xi32, #tpu.memory_space<vmem>>, vector<16xi32>,
      %gather3A_242 = tpu.vector_load_idx %arg5[%get3A_241] : memref<100000xf32, #tpu.memory_space<vmem>>[vector<16xi32>], vector<16xf32>,
      %swap3A_243 = arith.constant 736 : index
      %swap3A_244 = tpu.vector_load %arg7[%swap3A_243] {strides = array<i32>} : memref<1024xf32, #tpu.memory_space<vmem>>, vector<16xf32>,
      tpu.vector_store %arg7[%swap3A_243], %gather3A_242 {strides = array<i32>} : memref<1024xf32, #tpu.memory_space<vmem>>, vector<16xf32>,
      %get3A_245 = arith.constant 752 : index
      %get3A_246 = tpu.vector_load %arg6[%get3A_245] {strides = array<i32>} : memref<1024xi32, #tpu.memory_space<vmem>>, vector<16xi32>,
      %gather3A_247 = tpu.vector_load_idx %arg5[%get3A_246] : memref<100000xf32, #tpu.memory_space<vmem>>[vector<16xi32>], vector<16xf32>,
      %swap3A_248 = arith.constant 752 : index
      %swap3A_249 = tpu.vector_load %arg7[%swap3A_248] {strides = array<i32>} : memref<1024xf32, #tpu.memory_space<vmem>>, vector<16xf32>,
      tpu.vector_store %arg7[%swap3A_248], %gather3A_247 {strides = array<i32>} : memref<1024xf32, #tpu.memory_space<vmem>>, vector<16xf32>,
      %get3A_250 = arith.constant 768 : index
      %get3A_251 = tpu.vector_load %arg6[%get3A_250] {strides = array<i32>} : memref<1024xi32, #tpu.memory_space<vmem>>, vector<16xi32>,
      %gather3A_252 = tpu.vector_load_idx %arg5[%get3A_251] : memref<100000xf32, #tpu.memory_space<vmem>>[vector<16xi32>], vector<16xf32>,
      %swap3A_253 = arith.constant 768 : index
      %swap3A_254 = tpu.vector_load %arg7[%swap3A_253] {strides = array<i32>} : memref<1024xf32, #tpu.memory_space<vmem>>, vector<16xf32>,
      tpu.vector_store %arg7[%swap3A_253], %gather3A_252 {strides = array<i32>} : memref<1024xf32, #tpu.memory_space<vmem>>, vector<16xf32>,
      %get3A_255 = arith.constant 784 : index
      %get3A_256 = tpu.vector_load %arg6[%get3A_255] {strides = array<i32>} : memref<1024xi32, #tpu.memory_space<vmem>>, vector<16xi32>,
      %gather3A_257 = tpu.vector_load_idx %arg5[%get3A_256] : memref<100000xf32, #tpu.memory_space<vmem>>[vector<16xi32>], vector<16xf32>,
      %swap3A_258 = arith.constant 784 : index
      %swap3A_259 = tpu.vector_load %arg7[%swap3A_258] {strides = array<i32>} : memref<1024xf32, #tpu.memory_space<vmem>>, vector<16xf32>,
      tpu.vector_store %arg7[%swap3A_258], %gather3A_257 {strides = array<i32>} : memref<1024xf32, #tpu.memory_space<vmem>>, vector<16xf32>,
      %get3A_260 = arith.constant 800 : index
      %get3A_261 = tpu.vector_load %arg6[%get3A_260] {strides = array<i32>} : memref<1024xi32, #tpu.memory_space<vmem>>, vector<16xi32>,
      %gather3A_262 = tpu.vector_load_idx %arg5[%get3A_261] : memref<100000xf32, #tpu.memory_space<vmem>>[vector<16xi32>], vector<16xf32>,
      %swap3A_263 = arith.constant 800 : index
      %swap3A_264 = tpu.vector_load %arg7[%swap3A_263] {strides = array<i32>} : memref<1024xf32, #tpu.memory_space<vmem>>, vector<16xf32>,
      tpu.vector_store %arg7[%swap3A_263], %gather3A_262 {strides = array<i32>} : memref<1024xf32, #tpu.memory_space<vmem>>, vector<16xf32>,
      %get3A_265 = arith.constant 816 : index
      %get3A_266 = tpu.vector_load %arg6[%get3A_265] {strides = array<i32>} : memref<1024xi32, #tpu.memory_space<vmem>>, vector<16xi32>,
      %gather3A_267 = tpu.vector_load_idx %arg5[%get3A_266] : memref<100000xf32, #tpu.memory_space<vmem>>[vector<16xi32>], vector<16xf32>,
      %swap3A_268 = arith.constant 816 : index
      %swap3A_269 = tpu.vector_load %arg7[%swap3A_268] {strides = array<i32>} : memref<1024xf32, #tpu.memory_space<vmem>>, vector<16xf32>,
      tpu.vector_store %arg7[%swap3A_268], %gather3A_267 {strides = array<i32>} : memref<1024xf32, #tpu.memory_space<vmem>>, vector<16xf32>,
      %get3A_270 = arith.constant 832 : index
      %get3A_271 = tpu.vector_load %arg6[%get3A_270] {strides = array<i32>} : memref<1024xi32, #tpu.memory_space<vmem>>, vector<16xi32>,
      %gather3A_272 = tpu.vector_load_idx %arg5[%get3A_271] : memref<100000xf32, #tpu.memory_space<vmem>>[vector<16xi32>], vector<16xf32>,
      %swap3A_273 = arith.constant 832 : index
      %swap3A_274 = tpu.vector_load %arg7[%swap3A_273] {strides = array<i32>} : memref<1024xf32, #tpu.memory_space<vmem>>, vector<16xf32>,
      tpu.vector_store %arg7[%swap3A_273], %gather3A_272 {strides = array<i32>} : memref<1024xf32, #tpu.memory_space<vmem>>, vector<16xf32>,
      %get3A_275 = arith.constant 848 : index
      %get3A_276 = tpu.vector_load %arg6[%get3A_275] {strides = array<i32>} : memref<1024xi32, #tpu.memory_space<vmem>>, vector<16xi32>,
      %gather3A_277 = tpu.vector_load_idx %arg5[%get3A_276] : memref<100000xf32, #tpu.memory_space<vmem>>[vector<16xi32>], vector<16xf32>,
      %swap3A_278 = arith.constant 848 : index
      %swap3A_279 = tpu.vector_load %arg7[%swap3A_278] {strides = array<i32>} : memref<1024xf32, #tpu.memory_space<vmem>>, vector<16xf32>,
      tpu.vector_store %arg7[%swap3A_278], %gather3A_277 {strides = array<i32>} : memref<1024xf32, #tpu.memory_space<vmem>>, vector<16xf32>,
      %get3A_280 = arith.constant 864 : index
      %get3A_281 = tpu.vector_load %arg6[%get3A_280] {strides = array<i32>} : memref<1024xi32, #tpu.memory_space<vmem>>, vector<16xi32>,
      %gather3A_282 = tpu.vector_load_idx %arg5[%get3A_281] : memref<100000xf32, #tpu.memory_space<vmem>>[vector<16xi32>], vector<16xf32>,
      %swap3A_283 = arith.constant 864 : index
      %swap3A_284 = tpu.vector_load %arg7[%swap3A_283] {strides = array<i32>} : memref<1024xf32, #tpu.memory_space<vmem>>, vector<16xf32>,
      tpu.vector_store %arg7[%swap3A_283], %gather3A_282 {strides = array<i32>} : memref<1024xf32, #tpu.memory_space<vmem>>, vector<16xf32>,
      %get3A_285 = arith.constant 880 : index
      %get3A_286 = tpu.vector_load %arg6[%get3A_285] {strides = array<i32>} : memref<1024xi32, #tpu.memory_space<vmem>>, vector<16xi32>,
      %gather3A_287 = tpu.vector_load_idx %arg5[%get3A_286] : memref<100000xf32, #tpu.memory_space<vmem>>[vector<16xi32>], vector<16xf32>,
      %swap3A_288 = arith.constant 880 : index
      %swap3A_289 = tpu.vector_load %arg7[%swap3A_288] {strides = array<i32>} : memref<1024xf32, #tpu.memory_space<vmem>>, vector<16xf32>,
      tpu.vector_store %arg7[%swap3A_288], %gather3A_287 {strides = array<i32>} : memref<1024xf32, #tpu.memory_space<vmem>>, vector<16xf32>,
      %get3A_290 = arith.constant 896 : index
      %get3A_291 = tpu.vector_load %arg6[%get3A_290] {strides = array<i32>} : memref<1024xi32, #tpu.memory_space<vmem>>, vector<16xi32>,
      %gather3A_292 = tpu.vector_load_idx %arg5[%get3A_291] : memref<100000xf32, #tpu.memory_space<vmem>>[vector<16xi32>], vector<16xf32>,
      %swap3A_293 = arith.constant 896 : index
      %swap3A_294 = tpu.vector_load %arg7[%swap3A_293] {strides = array<i32>} : memref<1024xf32, #tpu.memory_space<vmem>>, vector<16xf32>,
      tpu.vector_store %arg7[%swap3A_293], %gather3A_292 {strides = array<i32>} : memref<1024xf32, #tpu.memory_space<vmem>>, vector<16xf32>,
      %get3A_295 = arith.constant 912 : index
      %get3A_296 = tpu.vector_load %arg6[%get3A_295] {strides = array<i32>} : memref<1024xi32, #tpu.memory_space<vmem>>, vector<16xi32>,
      %gather3A_297 = tpu.vector_load_idx %arg5[%get3A_296] : memref<100000xf32, #tpu.memory_space<vmem>>[vector<16xi32>], vector<16xf32>,
      %swap3A_298 = arith.constant 912 : index
      %swap3A_299 = tpu.vector_load %arg7[%swap3A_298] {strides = array<i32>} : memref<1024xf32, #tpu.memory_space<vmem>>, vector<16xf32>,
      tpu.vector_store %arg7[%swap3A_298], %gather3A_297 {strides = array<i32>} : memref<1024xf32, #tpu.memory_space<vmem>>, vector<16xf32>,
      %get3A_300 = arith.constant 928 : index
      %get3A_301 = tpu.vector_load %arg6[%get3A_300] {strides = array<i32>} : memref<1024xi32, #tpu.memory_space<vmem>>, vector<16xi32>,
      %gather3A_302 = tpu.vector_load_idx %arg5[%get3A_301] : memref<100000xf32, #tpu.memory_space<vmem>>[vector<16xi32>], vector<16xf32>,
      %swap3A_303 = arith.constant 928 : index
      %swap3A_304 = tpu.vector_load %arg7[%swap3A_303] {strides = array<i32>} : memref<1024xf32, #tpu.memory_space<vmem>>, vector<16xf32>,
      tpu.vector_store %arg7[%swap3A_303], %gather3A_302 {strides = array<i32>} : memref<1024xf32, #tpu.memory_space<vmem>>, vector<16xf32>,
      %get3A_305 = arith.constant 944 : index
      %get3A_306 = tpu.vector_load %arg6[%get3A_305] {strides = array<i32>} : memref<1024xi32, #tpu.memory_space<vmem>>, vector<16xi32>,
      %gather3A_307 = tpu.vector_load_idx %arg5[%get3A_306] : memref<100000xf32, #tpu.memory_space<vmem>>[vector<16xi32>], vector<16xf32>,
      %swap3A_308 = arith.constant 944 : index
      %swap3A_309 = tpu.vector_load %arg7[%swap3A_308] {strides = array<i32>} : memref<1024xf32, #tpu.memory_space<vmem>>, vector<16xf32>,
      tpu.vector_store %arg7[%swap3A_308], %gather3A_307 {strides = array<i32>} : memref<1024xf32, #tpu.memory_space<vmem>>, vector<16xf32>,
      %get3A_310 = arith.constant 960 : index
      %get3A_311 = tpu.vector_load %arg6[%get3A_310] {strides = array<i32>} : memref<1024xi32, #tpu.memory_space<vmem>>, vector<16xi32>,
      %gather3A_312 = tpu.vector_load_idx %arg5[%get3A_311] : memref<100000xf32, #tpu.memory_space<vmem>>[vector<16xi32>], vector<16xf32>,
      %swap3A_313 = arith.constant 960 : index
      %swap3A_314 = tpu.vector_load %arg7[%swap3A_313] {strides = array<i32>} : memref<1024xf32, #tpu.memory_space<vmem>>, vector<16xf32>,
      tpu.vector_store %arg7[%swap3A_313], %gather3A_312 {strides = array<i32>} : memref<1024xf32, #tpu.memory_space<vmem>>, vector<16xf32>,
      %get3A_315 = arith.constant 976 : index
      %get3A_316 = tpu.vector_load %arg6[%get3A_315] {strides = array<i32>} : memref<1024xi32, #tpu.memory_space<vmem>>, vector<16xi32>,
      %gather3A_317 = tpu.vector_load_idx %arg5[%get3A_316] : memref<100000xf32, #tpu.memory_space<vmem>>[vector<16xi32>], vector<16xf32>,
      %swap3A_318 = arith.constant 976 : index
      %swap3A_319 = tpu.vector_load %arg7[%swap3A_318] {strides = array<i32>} : memref<1024xf32, #tpu.memory_space<vmem>>, vector<16xf32>,
      tpu.vector_store %arg7[%swap3A_318], %gather3A_317 {strides = array<i32>} : memref<1024xf32, #tpu.memory_space<vmem>>, vector<16xf32>,
      %get3A_320 = arith.constant 992 : index
      %get3A_321 = tpu.vector_load %arg6[%get3A_320] {strides = array<i32>} : memref<1024xi32, #tpu.memory_space<vmem>>, vector<16xi32>,
      %gather3A_322 = tpu.vector_load_idx %arg5[%get3A_321] : memref<100000xf32, #tpu.memory_space<vmem>>[vector<16xi32>], vector<16xf32>,
      %swap3A_323 = arith.constant 992 : index
      %swap3A_324 = tpu.vector_load %arg7[%swap3A_323] {strides = array<i32>} : memref<1024xf32, #tpu.memory_space<vmem>>, vector<16xf32>,
      tpu.vector_store %arg7[%swap3A_323], %gather3A_322 {strides = array<i32>} : memref<1024xf32, #tpu.memory_space<vmem>>, vector<16xf32>,
      %get3A_325 = arith.constant 1008 : index
      %get3A_326 = tpu.vector_load %arg6[%get3A_325] {strides = array<i32>} : memref<1024xi32, #tpu.memory_space<vmem>>, vector<16xi32>,
      %gather3A_327 = tpu.vector_load_idx %arg5[%get3A_326] : memref<100000xf32, #tpu.memory_space<vmem>>[vector<16xi32>], vector<16xf32>,
      %swap3A_328 = arith.constant 1008 : index
      %swap3A_329 = tpu.vector_load %arg7[%swap3A_328] {strides = array<i32>} : memref<1024xf32, #tpu.memory_space<vmem>>, vector<16xf32>,
      tpu.vector_store %arg7[%swap3A_328], %gather3A_327 {strides = array<i32>} : memref<1024xf32, #tpu.memory_space<vmem>>, vector<16xf32>,
      "tpu.region"() ({
        %run_scoped3A = tpu.sem_alloc : memref<!tpu.dma_semaphore, #tpu.memory_space<semaphore_mem>>
        %dma_start3A_330 = arith.constant 0 : i32
        %dma_start3A_331 = tpu.memref_slice %arg4[%add3A, %dma_start3A_330] : memref<16x1024xf32, #tpu.memory_space<hbm>> -> memref<1x1024xf32, #tpu.memory_space<hbm>>
        %dma_start3A_332 = tpu.memref_squeeze %dma_start3A_331 : memref<1x1024xf32, #tpu.memory_space<hbm>> -> memref<1024xf32, #tpu.memory_space<hbm>>
        %dma_start3A_333 = arith.constant 0 : i32
        %dma_start3A_334 = tpu.memref_slice %arg4[%add3A, %dma_start3A_333] : memref<16x1024xf32, #tpu.memory_space<hbm>> -> memref<1x1024xf32, #tpu.memory_space<hbm>>
        %dma_start3A_335 = tpu.memref_squeeze %dma_start3A_334 : memref<1x1024xf32, #tpu.memory_space<hbm>> -> memref<1024xf32, #tpu.memory_space<hbm>>
        tpu.enqueue_dma source(%arg7 : memref<1024xf32, #tpu.memory_space<vmem>>) target(%dma_start3A_335 : memref<1024xf32, #tpu.memory_space<hbm>>) target_semaphore(%run_scoped3A : memref<!tpu.dma_semaphore, #tpu.memory_space<semaphore_mem>>)
        %dma_wait3A_336 = arith.constant 0 : i32
        %dma_wait3A_337 = tpu.memref_slice %arg4[%add3A, %dma_wait3A_336] : memref<16x1024xf32, #tpu.memory_space<hbm>> -> memref<1x1024xf32, #tpu.memory_space<hbm>>
        %dma_wait3A_338 = tpu.memref_squeeze %dma_wait3A_337 : memref<1x1024xf32, #tpu.memory_space<hbm>> -> memref<1024xf32, #tpu.memory_space<hbm>>
        %dma_wait3A_339 = arith.constant 0 : i32
        %dma_wait3A_340 = tpu.memref_slice %arg4[%add3A, %dma_wait3A_339] : memref<16x1024xf32, #tpu.memory_space<hbm>> -> memref<1x1024xf32, #tpu.memory_space<hbm>>
        %dma_wait3A_341 = tpu.memref_squeeze %dma_wait3A_340 : memref<1x1024xf32, #tpu.memory_space<hbm>> -> memref<1024xf32, #tpu.memory_space<hbm>>
        tpu.wait_dma2 semaphore(%run_scoped3A : memref<!tpu.dma_semaphore, #tpu.memory_space<semaphore_mem>>) src(%arg7 : memref<1024xf32, #tpu.memory_space<vmem>>) dst(%dma_wait3A_341 : memref<1024xf32, #tpu.memory_space<hbm>>)
        tpu.yield
      }) : () -> ()
    } else {
    }
    return
  }
}

module attributes {stable_mosaic.version = 14 : i64} {
  func.func @body(%arg0: i32, %arg1: memref<16x1024xf32, #tpu.memory_space<vmem>>, %arg2: memref<16x2048xf32, #tpu.memory_space<vmem>>, %arg3: memref<1x2048xf32, #tpu.memory_space<vmem>>, %arg4: memref<100000x1024xf32, #tpu.memory_space<any>>, %arg5: memref<6x2048x1024xf32, #tpu.memory_space<vmem>>, %arg6: memref<6x!tpu.dma_semaphore, #tpu.memory_space<semaphore_mem>>) attributes {dimension_semantics = [#tpu.dimension_semantics<arbitrary>], iteration_bounds = array<i64: 49>, scalar_prefetch = 0 : i64, scratch_operands = 2 : i64, tpu.core_type = #tpu.core_type<tc>, window_params = [{pipeline_mode = #tpu.pipeline_mode<synchronous>, transform_indices = @transform_0, window_bounds = array<i64: 16, 1024>}, {transform_indices = @transform_1, window_bounds = array<i64: 16, 2048>}, {transform_indices = @transform_2, window_bounds = array<i64: 1, 2048>}, {}]} {
    %rem3A = arith.constant 6 : i32
    %rem3A_0 = arith.remsi %arg0, %rem3A : i32
    %ge3A = arith.constant 6 : i32
    %ge3A_1 = arith.cmpi sge, %arg0, %ge3A : i32
    %convert_element_type3A = arith.extui %ge3A_1 : i1 to i32
    %cond3A = arith.constant 0 : i32
    %cond3A_2 = arith.cmpi ne, %convert_element_type3A, %cond3A : i32
    scf.if %cond3A_2 {
      %sub3A = arith.constant 6 : i32
      %sub3A_31 = arith.subi %arg0, %sub3A : i32
      %mul3A = arith.constant 2048 : i32
      %mul3A_32 = arith.muli %sub3A_31, %mul3A : i32
      %dma_wait3A = tpu.memref_slice %arg6[%rem3A_0] : memref<6x!tpu.dma_semaphore, #tpu.memory_space<semaphore_mem>> -> memref<1x!tpu.dma_semaphore, #tpu.memory_space<semaphore_mem>>
      %dma_wait3A_33 = tpu.memref_squeeze %dma_wait3A : memref<1x!tpu.dma_semaphore, #tpu.memory_space<semaphore_mem>> -> memref<!tpu.dma_semaphore, #tpu.memory_space<semaphore_mem>>
      %dma_wait3A_34 = arith.constant 0 : i32
      %dma_wait3A_35 = tpu.memref_slice %arg4[%mul3A_32, %dma_wait3A_34] : memref<100000x1024xf32, #tpu.memory_space<any>> -> memref<2048x1024xf32, #tpu.memory_space<any>>
      %dma_wait3A_36 = arith.constant 0 : i32
      %dma_wait3A_37 = arith.constant 0 : i32
      %dma_wait3A_38 = tpu.memref_slice %arg5[%rem3A_0, %dma_wait3A_36, %dma_wait3A_37] : memref<6x2048x1024xf32, #tpu.memory_space<vmem>> -> memref<1x2048x1024xf32, #tpu.memory_space<vmem>>
      %dma_wait3A_39 = tpu.memref_squeeze %dma_wait3A_38 : memref<1x2048x1024xf32, #tpu.memory_space<vmem>> -> memref<2048x1024xf32, #tpu.memory_space<vmem>>
      tpu.wait_dma2 semaphore(%dma_wait3A_33 : memref<!tpu.dma_semaphore, #tpu.memory_space<semaphore_mem>>) src(%dma_wait3A_39 : memref<2048x1024xf32, #tpu.memory_space<vmem>>) dst(%dma_wait3A_35 : memref<2048x1024xf32, #tpu.memory_space<any>>)
    } else {
    }
    %get3A = arith.constant 0 : index
    %get3A_3 = arith.constant 0 : index
    %get3A_4 = vector.load %arg2[%get3A, %get3A_3] : memref<16x2048xf32, #tpu.memory_space<vmem>>, vector<16x2048xf32>
    %get3A_5 = arith.constant 0 : index
    %get3A_6 = arith.constant 0 : index
    %get3A_7 = vector.load %arg1[%get3A_5, %get3A_6] : memref<16x1024xf32, #tpu.memory_space<vmem>>, vector<16x1024xf32>
    %dot_general3A = arith.constant dense<0.000000e+00> : vector<2048x1024xf32>
    %dot_general3A_8 = tpu.matmul %get3A_4, %get3A_7, %dot_general3A {dimension_numbers = #tpu.dot_dimension_numbers<[0], [0], [1], [1], [0, 1, 1, 1], [], []>, transpose_lhs_hint = false} : vector<16x2048xf32>, vector<16x1024xf32>, vector<2048x1024xf32> -> vector<2048x1024xf32>
    %get3A_9 = arith.constant 0 : index
    %get3A_10 = arith.constant 0 : index
    %get3A_11 = vector.load %arg3[%get3A_9, %get3A_10] : memref<1x2048xf32, #tpu.memory_space<vmem>>, vector<1x2048xf32>
    %transpose3A = tpu.transpose %get3A_11, [1, 0] : vector<1x2048xf32> -> vector<2048x1xf32>
    %add3A = vector.broadcast %transpose3A : vector<2048x1xf32> to vector<2048x1024xf32>
    %add3A_12 = arith.addf %dot_general3A_8, %add3A : vector<2048x1024xf32>
    %swap3A = arith.index_cast %rem3A_0 : i32 to index
    %swap3A_13 = arith.constant 0 : index
    %swap3A_14 = arith.constant 0 : index
    %swap3A_15 = vector.load %arg5[%swap3A, %swap3A_13, %swap3A_14] : memref<6x2048x1024xf32, #tpu.memory_space<vmem>>, vector<1x2048x1024xf32>
    %swap3A_16 = vector.shape_cast %swap3A_15 : vector<1x2048x1024xf32> to vector<2048x1024xf32>
    %swap3A_17 = vector.shape_cast %add3A_12 : vector<2048x1024xf32> to vector<1x2048x1024xf32>
    tpu.vector_store %arg5[%swap3A, %swap3A_13, %swap3A_14], %swap3A_17 {strides = array<i32>} : memref<6x2048x1024xf32, #tpu.memory_space<vmem>>, vector<1x2048x1024xf32>,
    %lt3A = arith.constant 48 : i32
    %lt3A_18 = arith.cmpi slt, %arg0, %lt3A : i32
    %convert_element_type3A_19 = arith.extui %lt3A_18 : i1 to i32
    %cond3A_20 = arith.constant 0 : i32
    %cond3A_21 = arith.cmpi ne, %convert_element_type3A_19, %cond3A_20 : i32
    scf.if %cond3A_21 {
      %mul3A = arith.constant 2048 : i32
      %mul3A_31 = arith.muli %arg0, %mul3A : i32
      %dma_start3A = tpu.memref_slice %arg6[%rem3A_0] : memref<6x!tpu.dma_semaphore, #tpu.memory_space<semaphore_mem>> -> memref<1x!tpu.dma_semaphore, #tpu.memory_space<semaphore_mem>>
      %dma_start3A_32 = tpu.memref_squeeze %dma_start3A : memref<1x!tpu.dma_semaphore, #tpu.memory_space<semaphore_mem>> -> memref<!tpu.dma_semaphore, #tpu.memory_space<semaphore_mem>>
      %dma_start3A_33 = arith.constant 0 : i32
      %dma_start3A_34 = tpu.memref_slice %arg4[%mul3A_31, %dma_start3A_33] : memref<100000x1024xf32, #tpu.memory_space<any>> -> memref<2048x1024xf32, #tpu.memory_space<any>>
      %dma_start3A_35 = arith.constant 0 : i32
      %dma_start3A_36 = arith.constant 0 : i32
      %dma_start3A_37 = tpu.memref_slice %arg5[%rem3A_0, %dma_start3A_35, %dma_start3A_36] : memref<6x2048x1024xf32, #tpu.memory_space<vmem>> -> memref<1x2048x1024xf32, #tpu.memory_space<vmem>>
      %dma_start3A_38 = tpu.memref_squeeze %dma_start3A_37 : memref<1x2048x1024xf32, #tpu.memory_space<vmem>> -> memref<2048x1024xf32, #tpu.memory_space<vmem>>
      tpu.enqueue_dma source(%dma_start3A_38 : memref<2048x1024xf32, #tpu.memory_space<vmem>>) target(%dma_start3A_34 : memref<2048x1024xf32, #tpu.memory_space<any>>) target_semaphore(%dma_start3A_32 : memref<!tpu.dma_semaphore, #tpu.memory_space<semaphore_mem>>)
    } else {
    }
    %eq3A = arith.constant 48 : i32
    %eq3A_22 = arith.cmpi eq, %arg0, %eq3A : i32
    %convert_element_type3A_23 = arith.extui %eq3A_22 : i1 to i32
    %cond3A_24 = arith.constant 0 : i32
    %cond3A_25 = arith.cmpi ne, %convert_element_type3A_23, %cond3A_24 : i32
    scf.if %cond3A_25 {
      %dma_start3A = tpu.memref_slice %arg6[%rem3A_0] : memref<6x!tpu.dma_semaphore, #tpu.memory_space<semaphore_mem>> -> memref<1x!tpu.dma_semaphore, #tpu.memory_space<semaphore_mem>>
      %dma_start3A_31 = tpu.memref_squeeze %dma_start3A : memref<1x!tpu.dma_semaphore, #tpu.memory_space<semaphore_mem>> -> memref<!tpu.dma_semaphore, #tpu.memory_space<semaphore_mem>>
      %dma_start3A_32 = arith.constant 98304 : i32
      %dma_start3A_33 = arith.constant 0 : i32
      %dma_start3A_34 = tpu.memref_slice %arg4[%dma_start3A_32, %dma_start3A_33] : memref<100000x1024xf32, #tpu.memory_space<any>> -> memref<1696x1024xf32, #tpu.memory_space<any>>
      %dma_start3A_35 = arith.constant 0 : i32
      %dma_start3A_36 = arith.constant 0 : i32
      %dma_start3A_37 = tpu.memref_slice %arg5[%rem3A_0, %dma_start3A_35, %dma_start3A_36] : memref<6x2048x1024xf32, #tpu.memory_space<vmem>> -> memref<1x1696x1024xf32, #tpu.memory_space<vmem>>
      %dma_start3A_38 = tpu.memref_squeeze %dma_start3A_37 : memref<1x1696x1024xf32, #tpu.memory_space<vmem>> -> memref<1696x1024xf32, #tpu.memory_space<vmem>>
      tpu.enqueue_dma source(%dma_start3A_38 : memref<1696x1024xf32, #tpu.memory_space<vmem>>) target(%dma_start3A_34 : memref<1696x1024xf32, #tpu.memory_space<any>>) target_semaphore(%dma_start3A_31 : memref<!tpu.dma_semaphore, #tpu.memory_space<semaphore_mem>>)
    } else {
    }
    %eq3A_26 = arith.constant 48 : i32
    %eq3A_27 = arith.cmpi eq, %arg0, %eq3A_26 : i32
    %convert_element_type3A_28 = arith.extui %eq3A_27 : i1 to i32
    %cond3A_29 = arith.constant 0 : i32
    %cond3A_30 = arith.cmpi ne, %convert_element_type3A_28, %cond3A_29 : i32
    scf.if %cond3A_30 {
      %dma_wait3A = arith.constant 0 : i32
      %dma_wait3A_31 = arith.constant 0 : i32
      %dma_wait3A_32 = tpu.memref_slice %arg6[%dma_wait3A_31] : memref<6x!tpu.dma_semaphore, #tpu.memory_space<semaphore_mem>> -> memref<1x!tpu.dma_semaphore, #tpu.memory_space<semaphore_mem>>
      %dma_wait3A_33 = tpu.memref_squeeze %dma_wait3A_32 : memref<1x!tpu.dma_semaphore, #tpu.memory_space<semaphore_mem>> -> memref<!tpu.dma_semaphore, #tpu.memory_space<semaphore_mem>>
      %dma_wait3A_34 = arith.constant 98304 : i32
      %dma_wait3A_35 = arith.constant 0 : i32
      %dma_wait3A_36 = tpu.memref_slice %arg4[%dma_wait3A_34, %dma_wait3A_35] : memref<100000x1024xf32, #tpu.memory_space<any>> -> memref<1696x1024xf32, #tpu.memory_space<any>>
      %dma_wait3A_37 = arith.constant 0 : i32
      %dma_wait3A_38 = arith.constant 0 : i32
      %dma_wait3A_39 = tpu.memref_slice %arg5[%dma_wait3A, %dma_wait3A_37, %dma_wait3A_38] : memref<6x2048x1024xf32, #tpu.memory_space<vmem>> -> memref<1x1696x1024xf32, #tpu.memory_space<vmem>>
      %dma_wait3A_40 = tpu.memref_squeeze %dma_wait3A_39 : memref<1x1696x1024xf32, #tpu.memory_space<vmem>> -> memref<1696x1024xf32, #tpu.memory_space<vmem>>
      tpu.wait_dma2 semaphore(%dma_wait3A_33 : memref<!tpu.dma_semaphore, #tpu.memory_space<semaphore_mem>>) src(%dma_wait3A_40 : memref<1696x1024xf32, #tpu.memory_space<vmem>>) dst(%dma_wait3A_36 : memref<1696x1024xf32, #tpu.memory_space<any>>)
      %dma_wait3A_41 = arith.constant 5 : i32
      %dma_wait3A_42 = arith.constant 5 : i32
      %dma_wait3A_43 = tpu.memref_slice %arg6[%dma_wait3A_42] : memref<6x!tpu.dma_semaphore, #tpu.memory_space<semaphore_mem>> -> memref<1x!tpu.dma_semaphore, #tpu.memory_space<semaphore_mem>>
      %dma_wait3A_44 = tpu.memref_squeeze %dma_wait3A_43 : memref<1x!tpu.dma_semaphore, #tpu.memory_space<semaphore_mem>> -> memref<!tpu.dma_semaphore, #tpu.memory_space<semaphore_mem>>
      %dma_wait3A_45 = arith.constant 96256 : i32
      %dma_wait3A_46 = arith.constant 0 : i32
      %dma_wait3A_47 = tpu.memref_slice %arg4[%dma_wait3A_45, %dma_wait3A_46] : memref<100000x1024xf32, #tpu.memory_space<any>> -> memref<2048x1024xf32, #tpu.memory_space<any>>
      %dma_wait3A_48 = arith.constant 0 : i32
      %dma_wait3A_49 = arith.constant 0 : i32
      %dma_wait3A_50 = tpu.memref_slice %arg5[%dma_wait3A_41, %dma_wait3A_48, %dma_wait3A_49] : memref<6x2048x1024xf32, #tpu.memory_space<vmem>> -> memref<1x2048x1024xf32, #tpu.memory_space<vmem>>
      %dma_wait3A_51 = tpu.memref_squeeze %dma_wait3A_50 : memref<1x2048x1024xf32, #tpu.memory_space<vmem>> -> memref<2048x1024xf32, #tpu.memory_space<vmem>>
      tpu.wait_dma2 semaphore(%dma_wait3A_44 : memref<!tpu.dma_semaphore, #tpu.memory_space<semaphore_mem>>) src(%dma_wait3A_51 : memref<2048x1024xf32, #tpu.memory_space<vmem>>) dst(%dma_wait3A_47 : memref<2048x1024xf32, #tpu.memory_space<any>>)
      %dma_wait3A_52 = arith.constant 4 : i32
      %dma_wait3A_53 = arith.constant 4 : i32
      %dma_wait3A_54 = tpu.memref_slice %arg6[%dma_wait3A_53] : memref<6x!tpu.dma_semaphore, #tpu.memory_space<semaphore_mem>> -> memref<1x!tpu.dma_semaphore, #tpu.memory_space<semaphore_mem>>
      %dma_wait3A_55 = tpu.memref_squeeze %dma_wait3A_54 : memref<1x!tpu.dma_semaphore, #tpu.memory_space<semaphore_mem>> -> memref<!tpu.dma_semaphore, #tpu.memory_space<semaphore_mem>>
      %dma_wait3A_56 = arith.constant 94208 : i32
      %dma_wait3A_57 = arith.constant 0 : i32
      %dma_wait3A_58 = tpu.memref_slice %arg4[%dma_wait3A_56, %dma_wait3A_57] : memref<100000x1024xf32, #tpu.memory_space<any>> -> memref<2048x1024xf32, #tpu.memory_space<any>>
      %dma_wait3A_59 = arith.constant 0 : i32
      %dma_wait3A_60 = arith.constant 0 : i32
      %dma_wait3A_61 = tpu.memref_slice %arg5[%dma_wait3A_52, %dma_wait3A_59, %dma_wait3A_60] : memref<6x2048x1024xf32, #tpu.memory_space<vmem>> -> memref<1x2048x1024xf32, #tpu.memory_space<vmem>>
      %dma_wait3A_62 = tpu.memref_squeeze %dma_wait3A_61 : memref<1x2048x1024xf32, #tpu.memory_space<vmem>> -> memref<2048x1024xf32, #tpu.memory_space<vmem>>
      tpu.wait_dma2 semaphore(%dma_wait3A_55 : memref<!tpu.dma_semaphore, #tpu.memory_space<semaphore_mem>>) src(%dma_wait3A_62 : memref<2048x1024xf32, #tpu.memory_space<vmem>>) dst(%dma_wait3A_58 : memref<2048x1024xf32, #tpu.memory_space<any>>)
      %dma_wait3A_63 = arith.constant 3 : i32
      %dma_wait3A_64 = arith.constant 3 : i32
      %dma_wait3A_65 = tpu.memref_slice %arg6[%dma_wait3A_64] : memref<6x!tpu.dma_semaphore, #tpu.memory_space<semaphore_mem>> -> memref<1x!tpu.dma_semaphore, #tpu.memory_space<semaphore_mem>>
      %dma_wait3A_66 = tpu.memref_squeeze %dma_wait3A_65 : memref<1x!tpu.dma_semaphore, #tpu.memory_space<semaphore_mem>> -> memref<!tpu.dma_semaphore, #tpu.memory_space<semaphore_mem>>
      %dma_wait3A_67 = arith.constant 92160 : i32
      %dma_wait3A_68 = arith.constant 0 : i32
      %dma_wait3A_69 = tpu.memref_slice %arg4[%dma_wait3A_67, %dma_wait3A_68] : memref<100000x1024xf32, #tpu.memory_space<any>> -> memref<2048x1024xf32, #tpu.memory_space<any>>
      %dma_wait3A_70 = arith.constant 0 : i32
      %dma_wait3A_71 = arith.constant 0 : i32
      %dma_wait3A_72 = tpu.memref_slice %arg5[%dma_wait3A_63, %dma_wait3A_70, %dma_wait3A_71] : memref<6x2048x1024xf32, #tpu.memory_space<vmem>> -> memref<1x2048x1024xf32, #tpu.memory_space<vmem>>
      %dma_wait3A_73 = tpu.memref_squeeze %dma_wait3A_72 : memref<1x2048x1024xf32, #tpu.memory_space<vmem>> -> memref<2048x1024xf32, #tpu.memory_space<vmem>>
      tpu.wait_dma2 semaphore(%dma_wait3A_66 : memref<!tpu.dma_semaphore, #tpu.memory_space<semaphore_mem>>) src(%dma_wait3A_73 : memref<2048x1024xf32, #tpu.memory_space<vmem>>) dst(%dma_wait3A_69 : memref<2048x1024xf32, #tpu.memory_space<any>>)
      %dma_wait3A_74 = arith.constant 2 : i32
      %dma_wait3A_75 = arith.constant 2 : i32
      %dma_wait3A_76 = tpu.memref_slice %arg6[%dma_wait3A_75] : memref<6x!tpu.dma_semaphore, #tpu.memory_space<semaphore_mem>> -> memref<1x!tpu.dma_semaphore, #tpu.memory_space<semaphore_mem>>
      %dma_wait3A_77 = tpu.memref_squeeze %dma_wait3A_76 : memref<1x!tpu.dma_semaphore, #tpu.memory_space<semaphore_mem>> -> memref<!tpu.dma_semaphore, #tpu.memory_space<semaphore_mem>>
      %dma_wait3A_78 = arith.constant 90112 : i32
      %dma_wait3A_79 = arith.constant 0 : i32
      %dma_wait3A_80 = tpu.memref_slice %arg4[%dma_wait3A_78, %dma_wait3A_79] : memref<100000x1024xf32, #tpu.memory_space<any>> -> memref<2048x1024xf32, #tpu.memory_space<any>>
      %dma_wait3A_81 = arith.constant 0 : i32
      %dma_wait3A_82 = arith.constant 0 : i32
      %dma_wait3A_83 = tpu.memref_slice %arg5[%dma_wait3A_74, %dma_wait3A_81, %dma_wait3A_82] : memref<6x2048x1024xf32, #tpu.memory_space<vmem>> -> memref<1x2048x1024xf32, #tpu.memory_space<vmem>>
      %dma_wait3A_84 = tpu.memref_squeeze %dma_wait3A_83 : memref<1x2048x1024xf32, #tpu.memory_space<vmem>> -> memref<2048x1024xf32, #tpu.memory_space<vmem>>
      tpu.wait_dma2 semaphore(%dma_wait3A_77 : memref<!tpu.dma_semaphore, #tpu.memory_space<semaphore_mem>>) src(%dma_wait3A_84 : memref<2048x1024xf32, #tpu.memory_space<vmem>>) dst(%dma_wait3A_80 : memref<2048x1024xf32, #tpu.memory_space<any>>)
      %dma_wait3A_85 = arith.constant 1 : i32
      %dma_wait3A_86 = arith.constant 1 : i32
      %dma_wait3A_87 = tpu.memref_slice %arg6[%dma_wait3A_86] : memref<6x!tpu.dma_semaphore, #tpu.memory_space<semaphore_mem>> -> memref<1x!tpu.dma_semaphore, #tpu.memory_space<semaphore_mem>>
      %dma_wait3A_88 = tpu.memref_squeeze %dma_wait3A_87 : memref<1x!tpu.dma_semaphore, #tpu.memory_space<semaphore_mem>> -> memref<!tpu.dma_semaphore, #tpu.memory_space<semaphore_mem>>
      %dma_wait3A_89 = arith.constant 88064 : i32
      %dma_wait3A_90 = arith.constant 0 : i32
      %dma_wait3A_91 = tpu.memref_slice %arg4[%dma_wait3A_89, %dma_wait3A_90] : memref<100000x1024xf32, #tpu.memory_space<any>> -> memref<2048x1024xf32, #tpu.memory_space<any>>
      %dma_wait3A_92 = arith.constant 0 : i32
      %dma_wait3A_93 = arith.constant 0 : i32
      %dma_wait3A_94 = tpu.memref_slice %arg5[%dma_wait3A_85, %dma_wait3A_92, %dma_wait3A_93] : memref<6x2048x1024xf32, #tpu.memory_space<vmem>> -> memref<1x2048x1024xf32, #tpu.memory_space<vmem>>
      %dma_wait3A_95 = tpu.memref_squeeze %dma_wait3A_94 : memref<1x2048x1024xf32, #tpu.memory_space<vmem>> -> memref<2048x1024xf32, #tpu.memory_space<vmem>>
      tpu.wait_dma2 semaphore(%dma_wait3A_88 : memref<!tpu.dma_semaphore, #tpu.memory_space<semaphore_mem>>) src(%dma_wait3A_95 : memref<2048x1024xf32, #tpu.memory_space<vmem>>) dst(%dma_wait3A_91 : memref<2048x1024xf32, #tpu.memory_space<any>>)
    } else {
    }
    return
  }
  func.func @transform_0(%arg0: i32) -> (i32, i32) {
    %c0_i32 = arith.constant 0 : i32
    %c0_i32_0 = arith.constant 0 : i32
    %c0_i32_1 = arith.constant 0 : i32
    return %c0_i32, %c0_i32_0 : i32, i32
  }
  func.func @transform_1(%arg0: i32) -> (i32, i32) {
    %c0_i32 = arith.constant 0 : i32
    %c0_i32_0 = arith.constant 0 : i32
    return %c0_i32, %arg0 : i32, i32
  }
  func.func @transform_2(%arg0: i32) -> (i32, i32) {
    %c0_i32 = arith.constant 0 : i32
    %c0_i32_0 = arith.constant 0 : i32
    return %c0_i32, %arg0 : i32, i32
  }
}

</mosaic_0001>

<sc_bundles>
// kernel: kernel.4.cloned.1.call-start
scs
__scs_entry_jumppad:
0x0: {  	(pc) =	sbr.rel $0x88, $3  }
0x1: {  	(tag) =	ssettag $0x0;
	lr =	simm.s32 $0x1  }
0x2: {  	[smem:$0x3F9D] =	sst lr;
	_ =	strace $0xD0000000  }
0x3: {  	_ = 	snop  }
0x4: {  	_ = 	snop  }
0x5: {  	_ = 	snop  }
0x6: {  	_ = 	snop  }
0x7: {  	_ = 	snop  }
__scs_overlays_trampoline_lowered:
0x8: {  	[smem:$0x3FAC] =	sst s0  }
0x9: {  	[smem:$0x3FAD] =	sst s1  }
0xa: {  	[smem:$0x3FAE] =	sst s2  }
0xb: {  	[smem:$0x3FAF] =	sst s3  }
0xc: {  	[smem:$0x3FB0] =	sst s4  }
0xd: {  	[smem:$0x3FB1] =	sst s5  }
0xe: {  	[smem:$0x3FB2] =	sst s6  }
0xf: {  	[smem:$0x3FB3] =	sst s7  }
0x10: {  	[smem:$0x3FB4] =	sst s8  }
0x11: {  	[smem:$0x3FB5] =	sst s9;
	s0 =	simm.s32 @!p0 $0x0  }
0x12: {  	s1 =	sld [smem:$0x3F9B];
	s0 =	simm.s32 @p0 $0x1  }
0x13: {  	[smem:$0x3FB6] =	sst s0;
	s0 =	simm.s32 @!p1 $0x0  }
0x14: {  	s2 =	sld [smem:$0x3F9A];
	s0 =	simm.s32 @p1 $0x1  }
0x15: {  	[smem:$0x3FB7] =	sst s0;
	s0 =	simm.s32 @!p2 $0x0  }
0x16: {  	s3 =	sld [smem:$0x3FDB];
	s0 =	simm.s32 @p2 $0x1  }
0x17: {  	s4 =	simm.s32 $0x1BF5;
	[smem:$0x3FB9] =	sst s0  }
0x18: {  	s0 =	sld [smem:$0x3F9C];
	_ =	swait.ge [sflag:s4], $0x0  }
0x19: {  	s7 =	sld [smem:$0x3F9D]  }
0x1a: {  	s8 =	sadd.s32 $0xFFFFE003, lr  }
0x1b: {  	s9 =	sadd.s32 $0xFFFFFEF7, lr;
	s5 =	simm.s32 $0xFFFFFFFF;
	p2 =	slt.u32 s8, $0xFFFFF086  }
0x1c: {  	p1 =	slt.u32 s9, $0xF7A;
	s5 =	simm.s32 @!p2 $0x0  }
0x1d: {  	s5 =	simm.s32 @p1 $0x1;
	p0 =	seq.s32 s7, s2  }
0x1e: {  	s7 =	smul.u32 @!p0 $0xF7A, s2;
	p2 =	seq.s32 @!p0 s5, $0x0  }
0x1f: {  	s9 =	smul.u32 $0xF7A, s1;
	s8 =	simm.s32 @!p0 $0x1BF5;
	p2 =	por !p2, p0  }
0x20: {  	[sflag:s8] =	ssyncset.s32 @!p0 $0xFFFFF086;
	s6 =	sadd.s32 @!p0 s3, s7;
	s7 =	simm.s32 @!p0 $0x108  }
0x21: {  	s3 =	sadd.s32 s3, s9;
	s6 =	sadd.s32 @!p0 $0x88, s6;
	s7 =	simm.s32 @p2 $0x1082  }
0x22: {  	[simem:s7], [sflag:s8] =	dma.local @!p0 [hbm:s6], $0xF7A  }
0x23: {  	s9 =	sor.u32 $0xD0000000, s2;
	s6 =	simm.s32 $0x108;
	_ =	swait.ge @!p0 [sflag:s8], $0x0  }
0x24: {  	s3 =	sadd.s32 $0x88, s3;
	s6 =	simm.s32 @!p1 $0x1082;
	[sflag:s4] =	ssyncset.s32 $0xFFFFF086  }
0x25: {  	[simem:s6], [sflag:s4] =	dma.local [hbm:s3], $0xF7A  }
0x26: {  	[smem:$0x3F9D] =	sst s1;
	(tag) =	ssettag s2;
	_ =	strace s9  }
0x27: {  	s1 =	sld [smem:$0x3FAD]  }
0x28: {  	s2 =	sld [smem:$0x3FAE]  }
0x29: {  	s4 =	sld [smem:$0x3FB0]  }
0x2a: {  	p0 =	seq.s32 s5, $0x0;
	s5 =	sld [smem:$0x3FB1]  }
0x2b: {  	s6 =	sld [smem:$0x3FB2]  }
0x2c: {  	s7 =	sld [smem:$0x3FB3]  }
0x2d: {  	s3 =	simm.s32 $0x108;
	s8 =	sld [smem:$0x3FB4]  }
0x2e: {  	s3 =	simm.s32 @!p0 $0x1082;
	s9 =	sld [smem:$0x3FB5]  }
0x2f: {  	lr =	sadd.s32 s0, s3;
	s0 =	sld [smem:$0x3FAC]  }
0x30: {  	s3 =	sld [smem:$0x3FAF]  }
0x31: {  	[smem:$0x3FB8] =	sst s10  }
0x32: {  	s10 =	sld [smem:$0x3FB6];
	_ =	sdelay $0x3  }
0x33: {  	p0 =	seq.s32 s10, $0x1;
	s10 =	sld [smem:$0x3FB8];
	_ =	sdelay $0x3  }
0x34: {  	[smem:$0x3FB8] =	sst s10  }
0x35: {  	s10 =	sld [smem:$0x3FB7];
	_ =	sdelay $0x3  }
0x36: {  	p1 =	seq.s32 s10, $0x1;
	s10 =	sld [smem:$0x3FB8];
	_ =	sdelay $0x3  }
0x37: {  	[smem:$0x3FB8] =	sst s10  }
0x38: {  	s10 =	sld [smem:$0x3FB9]  }
0x39: {  	_ = 	snop;
	(pc) =	sbr.ind lr, $3  }
0x3a: {  	_ = 	snop  }
0x3b: {  	_ = 	snop  }
0x3c: {  	p2 =	seq.s32 s10, $0x1;
	s10 =	sld [smem:$0x3FB8]  }
0x3d: {  	_ =	shalt  }
0x3e: {  	_ =	shalt  }
0x3f: {  	_ =	shalt  }
0x40: {  	_ =	shalt  }
0x41: {  	_ =	shalt  }
0x42: {  	_ =	shalt  }
0x43: {  	_ =	shalt  }
0x44: {  	_ =	shalt  }
0x45: {  	_ =	shalt  }
0x46: {  	_ =	shalt  }
0x47: {  	_ =	shalt  }
0x48: {  	_ =	shalt  }
0x49: {  	_ =	shalt  }
0x4a: {  	_ =	shalt  }
0x4b: {  	_ =	shalt  }
0x4c: {  	_ =	shalt  }
0x4d: {  	_ =	shalt  }
0x4e: {  	_ =	shalt  }
0x4f: {  	_ =	shalt  }
0x50: {  	_ =	shalt  }
0x51: {  	_ =	shalt  }
0x52: {  	_ =	shalt  }
0x53: {  	_ =	shalt  }
0x54: {  	_ =	shalt  }
0x55: {  	_ =	shalt  }
0x56: {  	_ =	shalt  }
0x57: {  	_ =	shalt  }
0x58: {  	_ =	shalt  }
0x59: {  	_ =	shalt  }
0x5a: {  	_ =	shalt  }
0x5b: {  	_ =	shalt  }
0x5c: {  	_ =	shalt  }
0x5d: {  	_ =	shalt  }
0x5e: {  	_ =	shalt  }
0x5f: {  	_ =	shalt  }
0x60: {  	_ =	shalt  }
0x61: {  	_ =	shalt  }
0x62: {  	_ =	shalt  }
0x63: {  	_ =	shalt  }
0x64: {  	_ =	shalt  }
0x65: {  	_ =	shalt  }
0x66: {  	_ =	shalt  }
0x67: {  	_ =	shalt  }
0x68: {  	_ =	shalt  }
0x69: {  	_ =	shalt  }
0x6a: {  	_ =	shalt  }
0x6b: {  	_ =	shalt  }
0x6c: {  	_ =	shalt  }
0x6d: {  	_ =	shalt  }
0x6e: {  	_ =	shalt  }
0x6f: {  	_ =	shalt  }
0x70: {  	_ =	shalt  }
0x71: {  	_ =	shalt  }
0x72: {  	_ =	shalt  }
0x73: {  	_ =	shalt  }
0x74: {  	_ =	shalt  }
0x75: {  	_ =	shalt  }
0x76: {  	_ =	shalt  }
0x77: {  	_ =	shalt  }
0x78: {  	_ =	shalt  }
0x79: {  	_ =	shalt  }
0x7a: {  	_ =	shalt  }
0x7b: {  	_ =	shalt  }
0x7c: {  	_ =	shalt  }
0x7d: {  	_ =	shalt  }
0x7e: {  	_ =	shalt  }
0x7f: {  	_ =	shalt  }
0x80: {  	_ =	shalt  }
0x81: {  	_ =	shalt  }
0x82: {  	_ =	shalt  }
0x83: {  	_ =	shalt  }
0x84: {  	_ =	shalt  }
0x85: {  	_ =	shalt  }
0x86: {  	_ =	shalt  }
0x87: {  	_ =	shalt  }
.Lfunc_end0:
.L_simem_size_0:
called_computation_lowered:
.L_overlay_start_0:
0x88: {  	s2 =	sld [smem:$0x3FD9]  }
0x89: {  	s3 =	sld [smem:$0x3FFE];
	_ =	sdelay $0x1  }
0x8a: {  	s1 =	srdreg.scid  }
0x8b: {  	s0 =	sand.u32 $0x1, s1  }
0x8c: {  	s17 =	sshll.u32 s0, $0xA;
	s2 =	sadd.s32 s3, s2  }
0x8d: {  	s2 =	sadd.s32 s2, s17  }
0x8e: {  	[smem:$0x3FC4] =	sst s2  }
0x8f: {  	_ = 	snop  }
0x90: {  	s2 =	sld [smem:$0x3FC9]  }
0x91: {  	s18 =	sld [smem:$0x3FC8];
	(tm) =	ssettm $0x1  }
0x92: {  	s4 =	sld [smem:$0x3FFB];
	_ =	sdelay $0x3  }
0x93: {  	_ =	strace s4  }
0x94: {  	s4 =	sld [smem:$0x3FFC];
	_ =	sdelay $0x3  }
0x95: {  	_ =	strace s4  }
0x96: {  	s4 =	sld [smem:$0x3FFD];
	_ =	sdelay $0x3  }
0x97: {  	_ =	strace s4  }
0x98: {  	_ =	strace $0x8FFFFFFF  }
0x99: {  	s19 =	sld [smem:$0x3FDB];
	_ =	sdelay $0x1  }
0x9a: {  	s5 =	simm.s32 $_scs_section_size  }
0x9b: {  	s6 =	simm.s32 $_size__tile_overlayer_lowered;
	s7 =	simm.s32 $_tile_overlayer_lowered  }
0x9c: {  	s22 =	simm.s32 $0x1BFF;
	s21 =	sshll.u32 s7, $0x1;
	s4 =	sadd.s32 s5, s19  }
0x9d: {  	s8 =	simm.s32 $0x0;
	s20 =	sshll.u32 s6, $0x1;
	s6 =	sadd.s32 s21, s4  }
0x9e: {  	[timem:s8], [sflag:s22] =	dma.local [hbm:s6], s20  }
0x9f: {  	_ =	swait.ge [sflag:s22], s20  }
0xa0: {  	s5 =	ssub.s32 $0x0, s20;
	[sflag:s22] =	ssyncset.done $0x0  }
0xa1: {  	[sflag:s22] =	ssyncadd.s32 s5;
	_ =	sdelay $0x1  }
0xa2: {  	s23 =	simm.s32 $0x1B8B  }
0xa3: {  	_ =	swait.ge [sflag:s23], $0x1  }
0xa4: {  	[sflag:s23] =	ssyncset.done $0x0  }
0xa5: {  	s25 =	simm.s32 $0x1B8E;
	s24 =	sld [smem:$0x3FFE];
	[sflag:s23] =	ssyncadd.s32 $0xFFFFFFFF  }
0xa6: {  	s26 =	simm.s32 $execute0_lowered;
	[smem:$0x3FD2] =	sst s25  }
0xa7: {  	s6 =	sshll.u32 s26, $0x1;
	_ =	strace $0x80000046;
	[dreg:$0x1] =	wrdreg $0xFFFFFFFF  }
0xa8: {  	s28 =	simm.s32 $_size_execute0_lowered;
	s4 =	sadd.s32 s4, s6;
	[dreg:$0x0] =	wrdreg $0x0  }
0xa9: {  	s6 =	sshll.u32 s28, $0x1;
	[dreg:$0x2] =	wrdreg s4  }
0xaa: {  	[dreg:$0x3] =	wrdreg s6  }
0xab: {  	[dreg:$0x4] =	wrdreg $0xC0  }
0xac: {  	_ =	task [dreg:s8], $0x5FFFF  }
0xad: {  	[dreg:$0x1] =	wrdreg $0xFFFFFFFF  }
0xae: {  	[dreg:$0x0] =	wrdreg $0x60  }
0xaf: {  	[dreg:$0x2] =	wrdreg s2  }
0xb0: {  	[dreg:$0x3] =	wrdreg s18  }
0xb1: {  	[dreg:$0x4] =	wrdreg s24  }
0xb2: {  	[dreg:$0x5] =	wrdreg $0x9  }
0xb3: {  	_ =	task.clear_ibuf [dreg:s8], $0x6FFFF;
	_ =	strace $0x90000046  }
0xb4: {  	s29 =	simm.s32 $0x9;
	_ =	strace $0x80000048  }
0xb5: {  	_ =	swait.ge [sflag:s29], $0x1  }
0xb6: {  	[sflag:s29] =	ssyncadd.s32 $0xFFFFFFFF  }
0xb7: {  	_ =	strace $0x90000048  }
0xb8: {  	_ =	sfence  }
0xb9: {  	s30 =	sld [smem:$0x0];
	_ =	sdelay $0x2  }
0xba: {  	s31 =	sshll.u32 s1, $0xD;
	s1 =	sshrl.u32 s1, $0x2  }
0xbb: {  	s3 =	sand.u32 $0x4000, s31;
	s1 =	sadd.s32 s1, s30  }
0xbc: {  	s0 =	sor.u32 s3, s0;
	s1 =	sshll.u32 s1, $0x11  }
0xbd: {  	s0 =	sor.u32 s1, s0  }
0xbe: {  	s0 =	sadd.s32 $0x8F2B, s0  }
0xbf: {  	[sflag:s0] =	ssyncadd.remote.s32 $0x1  }
0xc0: {  	_ =	sfence.sel $0xFFFF  }
0xc1: {  	[dreg:$0x0] =	wrdreg $0xFFFFFFFF;
	(pc) =	sbr.abs _section_cstart, $3  }
0xc2: {  	[dreg:$0x1] =	wrdreg $0xFFFFFFFF  }
0xc3: {  	_ =	task.clear_ibuf [dreg:s8], $0x2FFFF;
	_ =	strace $0x9FFFFFFF  }
0xc4: {  	(tm) =	ssettm $0x7FFFFFFF  }
0xc5: {  	_ =	shalt  }
tec
execute0_lowered:
.L_overlay_start_1:
0x0: {  	(tag) =	ssettag $0x1  }
0x1: {  	s2 =	stileid.u32  }
0x2: {  	p0 =	sgt.u32 s2, $0x7  }
.Ltmp0:
0x3: {  	s1 =	rddreg [dreg:$0x0];
	(pc) =	sbr.rel @p0 .LBB2_3-.Ltmp0, $4  }
0x4: {  	s5 =	rddreg [dreg:$0x1]  }
0x5: {  	s4 =	rddreg [dreg:$0x2];
	s3 =	simm.s32 $0x0  }
0x6: {  	[smem:$0x7FF] =	sst s3  }
0x7: {  	s0 =	rddreg [dreg:$0x3];
	_ =	strace $0x80000047  }
0x8: {  	s6 =	srdreg.scid;
	s7 =	sshll.u32 s2, $0x8;
	s8 =	sshrl.u32 s2, $0x2  }
0x9: {  	s10 =	simm.s32 $0x2;
	s11 =	simm.s32 $0x1;
	s12 =	simm.s32 $0x18B00  }
0xa: {  	s6 =	sand.u32 $0x1, s6;
	s7 =	sand.u32 $0x300, s7;
	s30 =	sshll.u32 s8, $0xD  }
0xb: {  	s8 =	smul.u32 $0xC3800, s8;
	s9 =	sshll.u32 s6, $0x7;
	s6 =	ssub.s32 $0x2, s6  }
0xc: {  	s13 =	simm.s32 $0x3;
	s7 =	sor.u32 s9, s7;
	s31 =	sshrl.u32 s6, $0x1  }
0xd: {  	s9 =	sor.u32 s30, s7;
	s7 =	sor.u32 s8, s7;
	s6 =	ssub.s32 s6, s31  }
0xe: {  	s8 =	simm.s32 $0x400;
	s9 =	sshrl.u32 s9, $0x3;
	s7 =	sshrl.u32 s7, $0x3  }
0xf: {  	s6 =	smax.u32 s6, $0x1;
	s4 =	sadd.s32 s9, s4;
	s5 =	sadd.s32 s5, s7  }
0x10: {  	s7 =	simm.s32 $0x80;
	s9 =	simm.s32 $0x18700;
	s4 =	sadd.s32 $0x600, s4  }
.LBB2_2:
0x11: {  	[tilespmem:s3], [sflag:$0x1] =	stream.strided.gather [hbm4b:s5+s7], $0x18700, s8, s7, $0x38;
	[tilespmem:$0x18F00] =	vst v63  }
0x12: {  	_ = 	snop  }
0x13: {  	[tilespmem:s9], [sflag:$0x2] =	stream.linear.gather [hbm4b:s1+s3], $0x400, $0x38;
	[tilespmem:$0x18F00] =	vst v63  }
0x14: {  	_ =	swait.ge [sflag:s10], $0x400  }
0x15: {  	[sflag:s10] =	ssyncset.done $0x0  }
0x16: {  	[sflag:s10] =	ssyncadd.s32 $0xFFFFFC00  }
0x17: {  	_ =	swait.ge [sflag:s11], $0x18700  }
0x18: {  	[sflag:s11] =	ssyncset.done $0x0  }
0x19: {  	[sflag:s11] =	ssyncadd.s32 $0xFFFE7900  }
0x1a: {  	v0 =	vld [tilespmem:$0x18700];
	_ =	sdelay $0x5  }
0x1b: {  	v1 =	vld [tilespmem:$0x18710];
	_ =	sdelay $0x1  }
0x1c: {  	v0 =	vld.idx.msk [tilespmem:v0+s3+$0x0], $0xffff;
	_ =	sdelay $0x3  }
0x1d: {  	v2 =	vld [tilespmem:$0x18720]  }
0x1e: {  	[tilespmem:$0x18B00] =	vst v0  }
0x1f: {  	v0 =	vld.idx.msk [tilespmem:v1+s3+$0x0], $0xffff;
	_ =	sdelay $0x3  }
0x20: {  	v63 =	vld [tilespmem:$0x18730]  }
0x21: {  	[tilespmem:$0x18B10] =	vst v0  }
0x22: {  	v0 =	vld.idx.msk [tilespmem:v2+s3+$0x0], $0xffff;
	_ =	sdelay $0x3  }
0x23: {  	v4 =	vld [tilespmem:$0x18740]  }
0x24: {  	[tilespmem:$0x18B20] =	vst v0  }
0x25: {  	v0 =	vld.idx.msk [tilespmem:v63+s3+$0x0], $0xffff;
	_ =	sdelay $0x3  }
0x26: {  	v5 =	vld [tilespmem:$0x18750]  }
0x27: {  	[tilespmem:$0x18B30] =	vst v0  }
0x28: {  	v0 =	vld.idx.msk [tilespmem:v4+s3+$0x0], $0xffff;
	_ =	sdelay $0x3  }
0x29: {  	v6 =	vld [tilespmem:$0x18760]  }
0x2a: {  	[tilespmem:$0x18B40] =	vst v0  }
0x2b: {  	v0 =	vld.idx.msk [tilespmem:v5+s3+$0x0], $0xffff;
	_ =	sdelay $0x3  }
0x2c: {  	v7 =	vld [tilespmem:$0x18770]  }
0x2d: {  	[tilespmem:$0x18B50] =	vst v0  }
0x2e: {  	v0 =	vld.idx.msk [tilespmem:v6+s3+$0x0], $0xffff;
	_ =	sdelay $0x3  }
0x2f: {  	v8 =	vld [tilespmem:$0x18780]  }
0x30: {  	[tilespmem:$0x18B60] =	vst v0  }
0x31: {  	v0 =	vld.idx.msk [tilespmem:v7+s3+$0x0], $0xffff;
	_ =	sdelay $0x3  }
0x32: {  	v9 =	vld [tilespmem:$0x18790]  }
0x33: {  	[tilespmem:$0x18B70] =	vst v0  }
0x34: {  	v0 =	vld.idx.msk [tilespmem:v8+s3+$0x0], $0xffff;
	_ =	sdelay $0x3  }
0x35: {  	v10 =	vld [tilespmem:$0x187A0]  }
0x36: {  	[tilespmem:$0x18B80] =	vst v0  }
0x37: {  	v0 =	vld.idx.msk [tilespmem:v9+s3+$0x0], $0xffff;
	_ =	sdelay $0x3  }
0x38: {  	v11 =	vld [tilespmem:$0x187B0]  }
0x39: {  	[tilespmem:$0x18B90] =	vst v0  }
0x3a: {  	v0 =	vld.idx.msk [tilespmem:v10+s3+$0x0], $0xffff;
	_ =	sdelay $0x3  }
0x3b: {  	v12 =	vld [tilespmem:$0x187C0]  }
0x3c: {  	[tilespmem:$0x18BA0] =	vst v0  }
0x3d: {  	v0 =	vld.idx.msk [tilespmem:v11+s3+$0x0], $0xffff;
	_ =	sdelay $0x3  }
0x3e: {  	v13 =	vld [tilespmem:$0x187D0]  }
0x3f: {  	[tilespmem:$0x18BB0] =	vst v0  }
0x40: {  	v0 =	vld.idx.msk [tilespmem:v12+s3+$0x0], $0xffff;
	_ =	sdelay $0x3  }
0x41: {  	v14 =	vld [tilespmem:$0x187E0]  }
0x42: {  	[tilespmem:$0x18BC0] =	vst v0  }
0x43: {  	v0 =	vld.idx.msk [tilespmem:v13+s3+$0x0], $0xffff;
	_ =	sdelay $0x3  }
0x44: {  	v15 =	vld [tilespmem:$0x187F0]  }
0x45: {  	[tilespmem:$0x18BD0] =	vst v0  }
0x46: {  	v0 =	vld.idx.msk [tilespmem:v14+s3+$0x0], $0xffff;
	_ =	sdelay $0x3  }
0x47: {  	v16 =	vld [tilespmem:$0x18800]  }
0x48: {  	[tilespmem:$0x18BE0] =	vst v0  }
0x49: {  	v0 =	vld.idx.msk [tilespmem:v15+s3+$0x0], $0xffff;
	_ =	sdelay $0x3  }
0x4a: {  	v17 =	vld [tilespmem:$0x18810]  }
0x4b: {  	[tilespmem:$0x18BF0] =	vst v0  }
0x4c: {  	v0 =	vld.idx.msk [tilespmem:v16+s3+$0x0], $0xffff;
	_ =	sdelay $0x3  }
0x4d: {  	v18 =	vld [tilespmem:$0x18820]  }
0x4e: {  	[tilespmem:$0x18C00] =	vst v0  }
0x4f: {  	v0 =	vld.idx.msk [tilespmem:v17+s3+$0x0], $0xffff;
	_ =	sdelay $0x3  }
0x50: {  	v19 =	vld [tilespmem:$0x18830]  }
0x51: {  	[tilespmem:$0x18C10] =	vst v0  }
0x52: {  	v0 =	vld.idx.msk [tilespmem:v18+s3+$0x0], $0xffff;
	_ =	sdelay $0x3  }
0x53: {  	v20 =	vld [tilespmem:$0x18840]  }
0x54: {  	[tilespmem:$0x18C20] =	vst v0  }
0x55: {  	v0 =	vld.idx.msk [tilespmem:v19+s3+$0x0], $0xffff;
	_ =	sdelay $0x3  }
0x56: {  	v21 =	vld [tilespmem:$0x18850]  }
0x57: {  	[tilespmem:$0x18C30] =	vst v0  }
0x58: {  	v0 =	vld.idx.msk [tilespmem:v20+s3+$0x0], $0xffff;
	_ =	sdelay $0x3  }
0x59: {  	v22 =	vld [tilespmem:$0x18860]  }
0x5a: {  	[tilespmem:$0x18C40] =	vst v0  }
0x5b: {  	v0 =	vld.idx.msk [tilespmem:v21+s3+$0x0], $0xffff;
	_ =	sdelay $0x3  }
0x5c: {  	v23 =	vld [tilespmem:$0x18870]  }
0x5d: {  	[tilespmem:$0x18C50] =	vst v0  }
0x5e: {  	v0 =	vld.idx.msk [tilespmem:v22+s3+$0x0], $0xffff;
	_ =	sdelay $0x3  }
0x5f: {  	v24 =	vld [tilespmem:$0x18880]  }
0x60: {  	[tilespmem:$0x18C60] =	vst v0  }
0x61: {  	v0 =	vld.idx.msk [tilespmem:v23+s3+$0x0], $0xffff;
	_ =	sdelay $0x3  }
0x62: {  	v25 =	vld [tilespmem:$0x18890]  }
0x63: {  	[tilespmem:$0x18C70] =	vst v0  }
0x64: {  	v0 =	vld.idx.msk [tilespmem:v24+s3+$0x0], $0xffff;
	_ =	sdelay $0x3  }
0x65: {  	v26 =	vld [tilespmem:$0x188A0]  }
0x66: {  	[tilespmem:$0x18C80] =	vst v0  }
0x67: {  	v0 =	vld.idx.msk [tilespmem:v25+s3+$0x0], $0xffff;
	_ =	sdelay $0x3  }
0x68: {  	v27 =	vld [tilespmem:$0x188B0]  }
0x69: {  	[tilespmem:$0x18C90] =	vst v0  }
0x6a: {  	v0 =	vld.idx.msk [tilespmem:v26+s3+$0x0], $0xffff;
	_ =	sdelay $0x3  }
0x6b: {  	v28 =	vld [tilespmem:$0x188C0]  }
0x6c: {  	[tilespmem:$0x18CA0] =	vst v0  }
0x6d: {  	v0 =	vld.idx.msk [tilespmem:v27+s3+$0x0], $0xffff;
	_ =	sdelay $0x3  }
0x6e: {  	v29 =	vld [tilespmem:$0x188D0]  }
0x6f: {  	[tilespmem:$0x18CB0] =	vst v0  }
0x70: {  	v0 =	vld.idx.msk [tilespmem:v28+s3+$0x0], $0xffff;
	_ =	sdelay $0x3  }
0x71: {  	v30 =	vld [tilespmem:$0x188E0]  }
0x72: {  	[tilespmem:$0x18CC0] =	vst v0  }
0x73: {  	v0 =	vld.idx.msk [tilespmem:v29+s3+$0x0], $0xffff;
	_ =	sdelay $0x3  }
0x74: {  	v31 =	vld [tilespmem:$0x188F0]  }
0x75: {  	[tilespmem:$0x18CD0] =	vst v0  }
0x76: {  	v0 =	vld.idx.msk [tilespmem:v30+s3+$0x0], $0xffff;
	_ =	sdelay $0x3  }
0x77: {  	v32 =	vld [tilespmem:$0x18900]  }
0x78: {  	[tilespmem:$0x18CE0] =	vst v0  }
0x79: {  	v0 =	vld.idx.msk [tilespmem:v31+s3+$0x0], $0xffff;
	_ =	sdelay $0x3  }
0x7a: {  	v33 =	vld [tilespmem:$0x18910]  }
0x7b: {  	[tilespmem:$0x18CF0] =	vst v0  }
0x7c: {  	v0 =	vld.idx.msk [tilespmem:v32+s3+$0x0], $0xffff;
	_ =	sdelay $0x3  }
0x7d: {  	v34 =	vld [tilespmem:$0x18920]  }
0x7e: {  	[tilespmem:$0x18D00] =	vst v0  }
0x7f: {  	v0 =	vld.idx.msk [tilespmem:v33+s3+$0x0], $0xffff;
	_ =	sdelay $0x3  }
0x80: {  	v35 =	vld [tilespmem:$0x18930]  }
0x81: {  	[tilespmem:$0x18D10] =	vst v0  }
0x82: {  	v0 =	vld.idx.msk [tilespmem:v34+s3+$0x0], $0xffff;
	_ =	sdelay $0x3  }
0x83: {  	v36 =	vld [tilespmem:$0x18940]  }
0x84: {  	[tilespmem:$0x18D20] =	vst v0  }
0x85: {  	v0 =	vld.idx.msk [tilespmem:v35+s3+$0x0], $0xffff;
	_ =	sdelay $0x3  }
0x86: {  	v37 =	vld [tilespmem:$0x18950]  }
0x87: {  	[tilespmem:$0x18D30] =	vst v0  }
0x88: {  	v0 =	vld.idx.msk [tilespmem:v36+s3+$0x0], $0xffff;
	_ =	sdelay $0x3  }
0x89: {  	v38 =	vld [tilespmem:$0x18960]  }
0x8a: {  	[tilespmem:$0x18D40] =	vst v0  }
0x8b: {  	v0 =	vld.idx.msk [tilespmem:v37+s3+$0x0], $0xffff;
	_ =	sdelay $0x3  }
0x8c: {  	v39 =	vld [tilespmem:$0x18970]  }
0x8d: {  	[tilespmem:$0x18D50] =	vst v0  }
0x8e: {  	v0 =	vld.idx.msk [tilespmem:v38+s3+$0x0], $0xffff;
	_ =	sdelay $0x3  }
0x8f: {  	v40 =	vld [tilespmem:$0x18980]  }
0x90: {  	[tilespmem:$0x18D60] =	vst v0  }
0x91: {  	v0 =	vld.idx.msk [tilespmem:v39+s3+$0x0], $0xffff;
	_ =	sdelay $0x3  }
0x92: {  	v41 =	vld [tilespmem:$0x18990]  }
0x93: {  	[tilespmem:$0x18D70] =	vst v0  }
0x94: {  	v0 =	vld.idx.msk [tilespmem:v40+s3+$0x0], $0xffff;
	_ =	sdelay $0x3  }
0x95: {  	v42 =	vld [tilespmem:$0x189A0]  }
0x96: {  	[tilespmem:$0x18D80] =	vst v0  }
0x97: {  	v0 =	vld.idx.msk [tilespmem:v41+s3+$0x0], $0xffff;
	_ =	sdelay $0x3  }
0x98: {  	v43 =	vld [tilespmem:$0x189B0]  }
0x99: {  	[tilespmem:$0x18D90] =	vst v0  }
0x9a: {  	v0 =	vld.idx.msk [tilespmem:v42+s3+$0x0], $0xffff;
	_ =	sdelay $0x3  }
0x9b: {  	v44 =	vld [tilespmem:$0x189C0]  }
0x9c: {  	[tilespmem:$0x18DA0] =	vst v0  }
0x9d: {  	v0 =	vld.idx.msk [tilespmem:v43+s3+$0x0], $0xffff;
	_ =	sdelay $0x3  }
0x9e: {  	v45 =	vld [tilespmem:$0x189D0]  }
0x9f: {  	[tilespmem:$0x18DB0] =	vst v0  }
0xa0: {  	v0 =	vld.idx.msk [tilespmem:v44+s3+$0x0], $0xffff;
	_ =	sdelay $0x3  }
0xa1: {  	v46 =	vld [tilespmem:$0x189E0]  }
0xa2: {  	[tilespmem:$0x18DC0] =	vst v0  }
0xa3: {  	v0 =	vld.idx.msk [tilespmem:v45+s3+$0x0], $0xffff;
	_ =	sdelay $0x3  }
0xa4: {  	v47 =	vld [tilespmem:$0x189F0]  }
0xa5: {  	[tilespmem:$0x18DD0] =	vst v0  }
0xa6: {  	v0 =	vld.idx.msk [tilespmem:v46+s3+$0x0], $0xffff;
	_ =	sdelay $0x3  }
0xa7: {  	v48 =	vld [tilespmem:$0x18A00]  }
0xa8: {  	[tilespmem:$0x18DE0] =	vst v0  }
0xa9: {  	v0 =	vld.idx.msk [tilespmem:v47+s3+$0x0], $0xffff;
	_ =	sdelay $0x3  }
0xaa: {  	v49 =	vld [tilespmem:$0x18A10]  }
0xab: {  	[tilespmem:$0x18DF0] =	vst v0  }
0xac: {  	v0 =	vld.idx.msk [tilespmem:v48+s3+$0x0], $0xffff;
	_ =	sdelay $0x3  }
0xad: {  	v50 =	vld [tilespmem:$0x18A20]  }
0xae: {  	[tilespmem:$0x18E00] =	vst v0  }
0xaf: {  	v0 =	vld.idx.msk [tilespmem:v49+s3+$0x0], $0xffff;
	_ =	sdelay $0x3  }
0xb0: {  	v51 =	vld [tilespmem:$0x18A30]  }
0xb1: {  	[tilespmem:$0x18E10] =	vst v0  }
0xb2: {  	v0 =	vld.idx.msk [tilespmem:v50+s3+$0x0], $0xffff;
	_ =	sdelay $0x3  }
0xb3: {  	v52 =	vld [tilespmem:$0x18A40]  }
0xb4: {  	[tilespmem:$0x18E20] =	vst v0  }
0xb5: {  	v0 =	vld.idx.msk [tilespmem:v51+s3+$0x0], $0xffff;
	_ =	sdelay $0x3  }
0xb6: {  	v53 =	vld [tilespmem:$0x18A50]  }
0xb7: {  	[tilespmem:$0x18E30] =	vst v0  }
0xb8: {  	v0 =	vld.idx.msk [tilespmem:v52+s3+$0x0], $0xffff;
	_ =	sdelay $0x3  }
0xb9: {  	v54 =	vld [tilespmem:$0x18A60]  }
0xba: {  	[tilespmem:$0x18E40] =	vst v0  }
0xbb: {  	v0 =	vld.idx.msk [tilespmem:v53+s3+$0x0], $0xffff;
	_ =	sdelay $0x3  }
0xbc: {  	v55 =	vld [tilespmem:$0x18A70]  }
0xbd: {  	[tilespmem:$0x18E50] =	vst v0  }
0xbe: {  	v0 =	vld.idx.msk [tilespmem:v54+s3+$0x0], $0xffff;
	_ =	sdelay $0x3  }
0xbf: {  	v56 =	vld [tilespmem:$0x18A80]  }
0xc0: {  	[tilespmem:$0x18E60] =	vst v0  }
0xc1: {  	v0 =	vld.idx.msk [tilespmem:v55+s3+$0x0], $0xffff;
	_ =	sdelay $0x3  }
0xc2: {  	v57 =	vld [tilespmem:$0x18A90]  }
0xc3: {  	[tilespmem:$0x18E70] =	vst v0  }
0xc4: {  	v0 =	vld.idx.msk [tilespmem:v56+s3+$0x0], $0xffff;
	_ =	sdelay $0x3  }
0xc5: {  	v58 =	vld [tilespmem:$0x18AA0]  }
0xc6: {  	[tilespmem:$0x18E80] =	vst v0  }
0xc7: {  	v0 =	vld.idx.msk [tilespmem:v57+s3+$0x0], $0xffff;
	_ =	sdelay $0x3  }
0xc8: {  	v59 =	vld [tilespmem:$0x18AB0]  }
0xc9: {  	[tilespmem:$0x18E90] =	vst v0  }
0xca: {  	v0 =	vld.idx.msk [tilespmem:v58+s3+$0x0], $0xffff;
	_ =	sdelay $0x3  }
0xcb: {  	v60 =	vld [tilespmem:$0x18AC0]  }
0xcc: {  	[tilespmem:$0x18EA0] =	vst v0  }
0xcd: {  	v0 =	vld.idx.msk [tilespmem:v59+s3+$0x0], $0xffff;
	_ =	sdelay $0x3  }
0xce: {  	v61 =	vld [tilespmem:$0x18AD0]  }
0xcf: {  	[tilespmem:$0x18EB0] =	vst v0  }
0xd0: {  	v0 =	vld.idx.msk [tilespmem:v60+s3+$0x0], $0xffff;
	_ =	sdelay $0x3  }
0xd1: {  	v62 =	vld [tilespmem:$0x18AE0]  }
0xd2: {  	[tilespmem:$0x18EC0] =	vst v0  }
0xd3: {  	v0 =	vld.idx.msk [tilespmem:v61+s3+$0x0], $0xffff;
	_ =	sdelay $0x3  }
0xd4: {  	v63 =	vld [tilespmem:$0x18AF0]  }
0xd5: {  	[tilespmem:$0x18ED0] =	vst v0  }
0xd6: {  	v0 =	vld.idx.msk [tilespmem:v62+s3+$0x0], $0xffff;
	_ =	sdelay $0x4  }
0xd7: {  	[tilespmem:$0x18EE0] =	vst v0  }
0xd8: {  	v0 =	vld.idx.msk [tilespmem:v63+s3+$0x0], $0xffff;
	_ =	sdelay $0x3  }
0xd9: {  	p0 =	sne.s32 s6, $0x1  }
.Ltmp1:
0xda: {  	[tilespmem:$0x18EF0] =	vst v0;
	(pc) =	sbr.rel @p0 .LBB2_2-.Ltmp1, $4  }
0xdb: {  	[hbm4b:s4+s7] =	stream.strided.scatter [tilespmem:s12], [sflag:$0x3], $0x400, s8, s7, $0x38;
	[tilespmem:$0x18F00] =	vst v63  }
0xdc: {  	_ =	swait.ge [sflag:s13], $0x400  }
0xdd: {  	[sflag:s13] =	ssyncset.done $0x0  }
0xde: {  	s6 =	sadd.s32 $0xFFFFFFFF, s6;
	[sflag:s13] =	ssyncadd.s32 $0xFFFFFC00  }
.LBB2_3:
0xdf: {  	_ =	sfence.sel $0x180000  }
0xe0: {  	[bflag:$0x0] =	sbarrier.arrive $0xFFFF  }
0xe1: {  	p0 =	sne.s32 s2, $0x0;
	_ =	strace $0x90000047  }
0xe2: {  	s0 =	sadd.s32 @!p0 $0x100000, s0;
	[bflag:$0x2] =	sbarrier.arrive $0xFFFF  }
0xe3: {  	[sflag:s0] =	ssyncadd.tile.s32 @!p0 $0x1;
	_ =	shalt  }
.Lfunc_end2:
_tile_overlayer_lowered:
.L_overlay_start_2:
0xe4: {  	(tag) =	ssettag $0x2  }
0xe5: {  	s0 =	rddreg [dreg:$0x0];
	s2 =	stileid.u32  }
0xe6: {  	s1 =	rddreg [dreg:$0x1];
	p0 =	sne.s32 s2, $0x0  }
0xe7: {  	s3 =	rddreg [dreg:$0x2];
	[bflag:$0x3] =	sbarrier.arrive $0xFFFF;
	s2 =	simm.s32 @!p0 $0x1C03  }
0xe8: {  	[timem:s3], [sflag:s2] =	dma.local @!p0 [hbm:s0], s1  }
0xe9: {  	s0 =	simm.s32 @!p0 $0x3  }
0xea: {  	_ =	swait.ge @!p0 [sflag:s0], s1  }
0xeb: {  	s1 =	ssub.s32 @!p0 $0x0, s1;
	[sflag:s0] =	ssyncset.done @!p0 $0x0  }
0xec: {  	[sflag:s0] =	ssyncadd.s32 @!p0 s1  }
0xed: {  	[bflag:$0x3] =	sbarrier.arrive $0xFFFF  }
0xee: {  	_ =	shalt  }

</sc_bundles>
